<compile_context>
chip_gen: v7x
topology: tpu7x:2x2x1
jax: 0.10.2.dev20260603
libtpu: 0.0.44.dev20260713+nightly
codegen_flags: <defaults>
</compile_context>

<pallas_src>
import functools
import jax
import jax.numpy as jnp
from jax import lax
from jax.experimental import pallas as pl
from jax.experimental.pallas import tpu as pltpu
from jax.experimental.pallas import tpu_sc as plsc

NT = 8
BB = 8
NC = 2
NS = 16
LANES = 16


def _vals_sc_kernel(ids_hbm, table_hbm, vals_hbm, ids_v, table_v, vals_v):
    B_per_w = 4
    T = 128
    wid = lax.axis_index("s") * NC + lax.axis_index("c")
    base = wid * (B_per_w * T)
    pltpu.sync_copy(ids_hbm.at[pl.ds(base, B_per_w * T)], ids_v)
    pltpu.sync_copy(table_hbm, table_v)

    for b in range(B_per_w):
        jchunks = [
            jnp.clip(ids_v[pl.ds(b * T + jc * LANES, LANES)], 0, NT - 1)
            for jc in range(T // LANES)
        ]

        def row_body(i, _):
            iv = plsc.load_gather(
                ids_v, [jnp.full((LANES,), b * T + i, jnp.int32)])
            riv = jnp.clip(iv, 0, NT - 1) * NT
            for jc in range(T // LANES):
                g = plsc.load_gather(table_v, [riv + jchunks[jc]])
                vals_v[pl.ds(b * T * T + i * T + jc * LANES, LANES)] = g
            return 0

        lax.fori_loop(0, T, row_body, 0)

    pltpu.sync_copy(vals_v, vals_hbm.at[pl.ds(base * T, B_per_w * T * T)])


def _sc_vals(tokens_id, binary_table):
    B, T = tokens_id.shape
    mesh = plsc.VectorSubcoreMesh(core_axis_name="c", subcore_axis_name="s")
    k = functools.partial(
        pl.kernel,
        mesh=mesh,
        out_type=jax.ShapeDtypeStruct((B * T * T,), jnp.float32),
        scratch_types=[
            pltpu.VMEM((B * T // (NC * NS),), jnp.int32),
            pltpu.VMEM((NT * NT,), jnp.float32),
            pltpu.VMEM((B * T * T // (NC * NS),), jnp.float32),
        ],
        compiler_params=pltpu.CompilerParams(needs_layout_passes=False),
    )(_vals_sc_kernel)
    return k(tokens_id.reshape(B * T), binary_table.reshape(NT * NT))


def _bias_tc_kernel(vals_ref, w_ref, b_ref, gate_ref, out_ref):
    vals = vals_ref[:, :, :]
    tg = jnp.tanh(gate_ref[0, 0])
    scale = tg * w_ref[0, :]
    offset = tg * b_ref[0, :]
    out_ref[:, :, :, :] = (vals[:, None, :, :] * scale[None, :, None, None]
                           + offset[None, :, None, None])


def kernel(tokens_id, W, b, gate, binary_table):
    B, T = tokens_id.shape
    H = W.shape[0]
    vals = _sc_vals(tokens_id, binary_table).reshape(B, T, T)
    w2 = W.reshape(1, H)
    b2 = b.reshape(1, H)
    gate2 = gate.reshape(1, 1)
    return pl.pallas_call(
        _bias_tc_kernel,
        grid=(B // BB,),
        in_specs=[
            pl.BlockSpec((BB, T, T), lambda i: (i, 0, 0)),
            pl.BlockSpec((1, H), lambda i: (0, 0)),
            pl.BlockSpec((1, H), lambda i: (0, 0)),
            pl.BlockSpec((1, 1), lambda i: (0, 0)),
        ],
        out_specs=pl.BlockSpec((BB, H, T, T), lambda i: (i, 0, 0, 0)),
        out_shape=jax.ShapeDtypeStruct((B, H, T, T), jnp.float32),
    )(vals, w2, b2, gate2)

# --- scband reference (transcript-rebuilt; emitter-appended) ---
"""Pipeline reference for scband-sminteraction-bias-24799141167773 (READ-ONLY COPY).

The authoritative reference and input builder live on the scoring server;
editing this copy changes nothing except your own understanding.
"""

import jax, jax.numpy as jnp
import numpy as np

NUM_TYPES = 8
MASK_VALUE = -100.0


def _build_binary_table(mask_value=MASK_VALUE):
    binary = np.full((NUM_TYPES, NUM_TYPES), mask_value, dtype=np.float32)
    pairs = [(1, 1), (1, 2), (2, 2), (1, 7), (2, 7), (3, 7), (4, 7), (5, 7), (6, 7), (3, 4), (5, 6)]
    for i, j in pairs:
        binary[i, j] = 1.0
        binary[j, i] = 1.0
    binary[0, :] = 0.0
    binary[:, 0] = 0.0
    return binary


def setup_inputs(seed: int = 0) -> dict:
    key = jax.random.key(seed)
    k1, k2, k3, k4 = jax.random.split(key, 4)
    B, T, H = 128, 128, 16
    tokens_id = jax.random.randint(k1, (B, T), 0, NUM_TYPES)
    # head_proj: nn.Linear(1, num_heads) -> weight [H, 1], bias [H]
    # (torch init is zeros; use small random values so the output/grads are nontrivial)
    W = jax.random.normal(k2, (H, 1), dtype=jnp.float32) * 0.02
    b = jax.random.normal(k3, (H,), dtype=jnp.float32) * 0.02
    gate = jnp.full((1,), 0.1, dtype=jnp.float32)
    binary_table = jnp.asarray(_build_binary_table())
    return {"tokens_id": tokens_id, "W": W, "b": b, "gate": gate, "binary_table": binary_table}


def reference(tokens_id, W, b, gate, binary_table):
    # ids = tokens_id.clamp(0, num_types - 1)
    ids = jnp.clip(tokens_id, 0, NUM_TYPES - 1)
    # pairwise table lookup: vals[b, i, j] = binary_table[ids[b, i], ids[b, j]]
    vals = binary_table[ids[:, :, None], ids[:, None, :]]  # [B, T, T]
    # head_proj(vals.unsqueeze(-1)): out = vals[..., None] * W^T + b -> [B, T, T, H]
    bias = vals[..., None] * W[:, 0] + b
    # permute(0, 3, 1, 2) -> [B, H, T, T]
    bias = jnp.transpose(bias, (0, 3, 1, 2))
    # no mask provided
    return jnp.tanh(gate) * bias

if __name__ == "__main__":
    import jax
    _d = setup_inputs()
    print(jax.jit(kernel)(*tuple(_d.values())))

</pallas_src>

<mosaic_0001>
#map = affine_map<(d0, d1) -> (0)>
module attributes {stable_mosaic.version = 14 : i64} {
  func.func @_vals_sc_kernel(%arg0: i32, %arg1: i32, %arg2: memref<16384xi32, #tpu.memory_space<hbm>>, %arg3: memref<64xf32, #tpu.memory_space<hbm>>, %arg4: memref<2097152xf32, #tpu.memory_space<hbm>>, %arg5: memref<512xi32, #tpu.memory_space<vmem>>, %arg6: memref<64xf32, #tpu.memory_space<vmem>>, %arg7: memref<65536xf32, #tpu.memory_space<vmem>>) attributes {dimension_semantics = [#tpu.dimension_semantics<core_parallel>, #tpu.dimension_semantics<subcore_parallel>], iteration_bounds = array<i64: 2, 16>, scalar_prefetch = 0 : i64, scratch_operands = 3 : i64, tpu.core_type = #tpu.core_type<sc_vector_subcore>, window_params = [{transform_indices = #map}, {transform_indices = #map}, {transform_indices = #map}]} {
    %mul3A = arith.constant 2 : i32
    %mul3A_0 = arith.muli %arg1, %mul3A : i32
    %add3A = arith.addi %mul3A_0, %arg0 : i32
    %mul3A_1 = arith.constant 512 : i32
    %mul3A_2 = arith.muli %add3A, %mul3A_1 : i32
    "tpu.region"() ({
      %run_scoped3A = tpu.sem_alloc : memref<!tpu.dma_semaphore, #tpu.memory_space<semaphore_mem>>
      %dma_start3A = tpu.memref_slice %arg2[%mul3A_2] : memref<16384xi32, #tpu.memory_space<hbm>> -> memref<512xi32, #tpu.memory_space<hbm>>
      %dma_start3A_284 = tpu.memref_slice %arg2[%mul3A_2] : memref<16384xi32, #tpu.memory_space<hbm>> -> memref<512xi32, #tpu.memory_space<hbm>>
      tpu.enqueue_dma source(%dma_start3A_284 : memref<512xi32, #tpu.memory_space<hbm>>) target(%arg5 : memref<512xi32, #tpu.memory_space<vmem>>) target_semaphore(%run_scoped3A : memref<!tpu.dma_semaphore, #tpu.memory_space<semaphore_mem>>)
      %dma_wait3A = tpu.memref_slice %arg2[%mul3A_2] : memref<16384xi32, #tpu.memory_space<hbm>> -> memref<512xi32, #tpu.memory_space<hbm>>
      %dma_wait3A_285 = tpu.memref_slice %arg2[%mul3A_2] : memref<16384xi32, #tpu.memory_space<hbm>> -> memref<512xi32, #tpu.memory_space<hbm>>
      tpu.wait_dma2 semaphore(%run_scoped3A : memref<!tpu.dma_semaphore, #tpu.memory_space<semaphore_mem>>) src(%dma_wait3A_285 : memref<512xi32, #tpu.memory_space<hbm>>) dst(%arg5 : memref<512xi32, #tpu.memory_space<vmem>>)
      tpu.yield
    }) : () -> ()
    "tpu.region"() ({
      %run_scoped3A = tpu.sem_alloc : memref<!tpu.dma_semaphore, #tpu.memory_space<semaphore_mem>>
      tpu.enqueue_dma source(%arg3 : memref<64xf32, #tpu.memory_space<hbm>>) target(%arg6 : memref<64xf32, #tpu.memory_space<vmem>>) target_semaphore(%run_scoped3A : memref<!tpu.dma_semaphore, #tpu.memory_space<semaphore_mem>>)
      tpu.wait_dma2 semaphore(%run_scoped3A : memref<!tpu.dma_semaphore, #tpu.memory_space<semaphore_mem>>) src(%arg3 : memref<64xf32, #tpu.memory_space<hbm>>) dst(%arg6 : memref<64xf32, #tpu.memory_space<vmem>>)
      tpu.yield
    }) : () -> ()
    %get3A = arith.constant 0 : index
    %get3A_3 = tpu.vector_load %arg5[%get3A] {strides = array<i32>} : memref<512xi32, #tpu.memory_space<vmem>>, vector<16xi32>,
    %jit3A = arith.constant 0 : i32
    %jit3A_4 = arith.constant 7 : i32
    %max3A = vector.broadcast %jit3A : i32 to vector<16xi32>
    %max3A_5 = arith.maxsi %max3A, %get3A_3 : vector<16xi32>
    %min3A = vector.broadcast %jit3A_4 : i32 to vector<16xi32>
    %min3A_6 = arith.minsi %min3A, %max3A_5 : vector<16xi32>
    %get3A_7 = arith.constant 16 : index
    %get3A_8 = tpu.vector_load %arg5[%get3A_7] {strides = array<i32>} : memref<512xi32, #tpu.memory_space<vmem>>, vector<16xi32>,
    %jit3A_9 = arith.constant 0 : i32
    %jit3A_10 = arith.constant 7 : i32
    %max3A_11 = vector.broadcast %jit3A_9 : i32 to vector<16xi32>
    %max3A_12 = arith.maxsi %max3A_11, %get3A_8 : vector<16xi32>
    %min3A_13 = vector.broadcast %jit3A_10 : i32 to vector<16xi32>
    %min3A_14 = arith.minsi %min3A_13, %max3A_12 : vector<16xi32>
    %get3A_15 = arith.constant 32 : index
    %get3A_16 = tpu.vector_load %arg5[%get3A_15] {strides = array<i32>} : memref<512xi32, #tpu.memory_space<vmem>>, vector<16xi32>,
    %jit3A_17 = arith.constant 0 : i32
    %jit3A_18 = arith.constant 7 : i32
    %max3A_19 = vector.broadcast %jit3A_17 : i32 to vector<16xi32>
    %max3A_20 = arith.maxsi %max3A_19, %get3A_16 : vector<16xi32>
    %min3A_21 = vector.broadcast %jit3A_18 : i32 to vector<16xi32>
    %min3A_22 = arith.minsi %min3A_21, %max3A_20 : vector<16xi32>
    %get3A_23 = arith.constant 48 : index
    %get3A_24 = tpu.vector_load %arg5[%get3A_23] {strides = array<i32>} : memref<512xi32, #tpu.memory_space<vmem>>, vector<16xi32>,
    %jit3A_25 = arith.constant 0 : i32
    %jit3A_26 = arith.constant 7 : i32
    %max3A_27 = vector.broadcast %jit3A_25 : i32 to vector<16xi32>
    %max3A_28 = arith.maxsi %max3A_27, %get3A_24 : vector<16xi32>
    %min3A_29 = vector.broadcast %jit3A_26 : i32 to vector<16xi32>
    %min3A_30 = arith.minsi %min3A_29, %max3A_28 : vector<16xi32>
    %get3A_31 = arith.constant 64 : index
    %get3A_32 = tpu.vector_load %arg5[%get3A_31] {strides = array<i32>} : memref<512xi32, #tpu.memory_space<vmem>>, vector<16xi32>,
    %jit3A_33 = arith.constant 0 : i32
    %jit3A_34 = arith.constant 7 : i32
    %max3A_35 = vector.broadcast %jit3A_33 : i32 to vector<16xi32>
    %max3A_36 = arith.maxsi %max3A_35, %get3A_32 : vector<16xi32>
    %min3A_37 = vector.broadcast %jit3A_34 : i32 to vector<16xi32>
    %min3A_38 = arith.minsi %min3A_37, %max3A_36 : vector<16xi32>
    %get3A_39 = arith.constant 80 : index
    %get3A_40 = tpu.vector_load %arg5[%get3A_39] {strides = array<i32>} : memref<512xi32, #tpu.memory_space<vmem>>, vector<16xi32>,
    %jit3A_41 = arith.constant 0 : i32
    %jit3A_42 = arith.constant 7 : i32
    %max3A_43 = vector.broadcast %jit3A_41 : i32 to vector<16xi32>
    %max3A_44 = arith.maxsi %max3A_43, %get3A_40 : vector<16xi32>
    %min3A_45 = vector.broadcast %jit3A_42 : i32 to vector<16xi32>
    %min3A_46 = arith.minsi %min3A_45, %max3A_44 : vector<16xi32>
    %get3A_47 = arith.constant 96 : index
    %get3A_48 = tpu.vector_load %arg5[%get3A_47] {strides = array<i32>} : memref<512xi32, #tpu.memory_space<vmem>>, vector<16xi32>,
    %jit3A_49 = arith.constant 0 : i32
    %jit3A_50 = arith.constant 7 : i32
    %max3A_51 = vector.broadcast %jit3A_49 : i32 to vector<16xi32>
    %max3A_52 = arith.maxsi %max3A_51, %get3A_48 : vector<16xi32>
    %min3A_53 = vector.broadcast %jit3A_50 : i32 to vector<16xi32>
    %min3A_54 = arith.minsi %min3A_53, %max3A_52 : vector<16xi32>
    %get3A_55 = arith.constant 112 : index
    %get3A_56 = tpu.vector_load %arg5[%get3A_55] {strides = array<i32>} : memref<512xi32, #tpu.memory_space<vmem>>, vector<16xi32>,
    %jit3A_57 = arith.constant 0 : i32
    %jit3A_58 = arith.constant 7 : i32
    %max3A_59 = vector.broadcast %jit3A_57 : i32 to vector<16xi32>
    %max3A_60 = arith.maxsi %max3A_59, %get3A_56 : vector<16xi32>
    %min3A_61 = vector.broadcast %jit3A_58 : i32 to vector<16xi32>
    %min3A_62 = arith.minsi %min3A_61, %max3A_60 : vector<16xi32>
    %scan3A = arith.constant 0 : i32
    %scan3A_63 = arith.constant 0 : i32
    %scan3A_64 = arith.constant 128 : i32
    %scan3A_65 = arith.addi %scan3A_63, %scan3A_64 : i32
    %scan3A_66 = arith.constant 1 : i32
    %scan3A_67 = scf.for %scan3A_284 = %scan3A_63 to %scan3A_65 step %scan3A_66 iter_args(%scan3A_285 = %scan3A) -> (i32)  : i32 {
      %add3A_286 = arith.constant 0 : i32
      %add3A_287 = arith.addi %add3A_286, %scan3A_284 : i32
      %broadcast_in_dim3A = vector.broadcast %add3A_287 : i32 to vector<16xi32>
      %gather3A = tpu.vector_load_idx %arg5[%broadcast_in_dim3A] : memref<512xi32, #tpu.memory_space<vmem>>[vector<16xi32>], vector<16xi32>,
      %jit3A_288 = arith.constant 0 : i32
      %jit3A_289 = arith.constant 7 : i32
      %max3A_290 = vector.broadcast %jit3A_288 : i32 to vector<16xi32>
      %max3A_291 = arith.maxsi %max3A_290, %gather3A : vector<16xi32>
      %min3A_292 = vector.broadcast %jit3A_289 : i32 to vector<16xi32>
      %min3A_293 = arith.minsi %min3A_292, %max3A_291 : vector<16xi32>
      %mul3A_294 = arith.constant 8 : i32
      %mul3A_295 = vector.broadcast %mul3A_294 : i32 to vector<16xi32>
      %mul3A_296 = arith.muli %min3A_293, %mul3A_295 : vector<16xi32>
      %add3A_297 = arith.addi %mul3A_296, %min3A_6 : vector<16xi32>
      %gather3A_298 = tpu.vector_load_idx %arg6[%add3A_297] : memref<64xf32, #tpu.memory_space<vmem>>[vector<16xi32>], vector<16xf32>,
      %mul3A_299 = arith.constant 128 : i32
      %mul3A_300 = arith.muli %scan3A_284, %mul3A_299 : i32
      %add3A_301 = arith.constant 0 : i32
      %add3A_302 = arith.addi %add3A_301, %mul3A_300 : i32
      %add3A_303 = arith.constant 0 : i32
      %add3A_304 = arith.addi %add3A_302, %add3A_303 : i32
      %swap3A = arith.index_cast %add3A_304 : i32 to index
      %swap3A_305 = tpu.vector_load %arg7[%swap3A] {strides = array<i32>} : memref<65536xf32, #tpu.memory_space<vmem>>, vector<16xf32>,
      tpu.vector_store %arg7[%swap3A], %gather3A_298 {strides = array<i32>} : memref<65536xf32, #tpu.memory_space<vmem>>, vector<16xf32>,
      %add3A_306 = arith.addi %mul3A_296, %min3A_14 : vector<16xi32>
      %gather3A_307 = tpu.vector_load_idx %arg6[%add3A_306] : memref<64xf32, #tpu.memory_space<vmem>>[vector<16xi32>], vector<16xf32>,
      %mul3A_308 = arith.constant 128 : i32
      %mul3A_309 = arith.muli %scan3A_284, %mul3A_308 : i32
      %add3A_310 = arith.constant 0 : i32
      %add3A_311 = arith.addi %add3A_310, %mul3A_309 : i32
      %add3A_312 = arith.constant 16 : i32
      %add3A_313 = arith.addi %add3A_311, %add3A_312 : i32
      %swap3A_314 = arith.index_cast %add3A_313 : i32 to index
      %swap3A_315 = tpu.vector_load %arg7[%swap3A_314] {strides = array<i32>} : memref<65536xf32, #tpu.memory_space<vmem>>, vector<16xf32>,
      tpu.vector_store %arg7[%swap3A_314], %gather3A_307 {strides = array<i32>} : memref<65536xf32, #tpu.memory_space<vmem>>, vector<16xf32>,
      %add3A_316 = arith.addi %mul3A_296, %min3A_22 : vector<16xi32>
      %gather3A_317 = tpu.vector_load_idx %arg6[%add3A_316] : memref<64xf32, #tpu.memory_space<vmem>>[vector<16xi32>], vector<16xf32>,
      %mul3A_318 = arith.constant 128 : i32
      %mul3A_319 = arith.muli %scan3A_284, %mul3A_318 : i32
      %add3A_320 = arith.constant 0 : i32
      %add3A_321 = arith.addi %add3A_320, %mul3A_319 : i32
      %add3A_322 = arith.constant 32 : i32
      %add3A_323 = arith.addi %add3A_321, %add3A_322 : i32
      %swap3A_324 = arith.index_cast %add3A_323 : i32 to index
      %swap3A_325 = tpu.vector_load %arg7[%swap3A_324] {strides = array<i32>} : memref<65536xf32, #tpu.memory_space<vmem>>, vector<16xf32>,
      tpu.vector_store %arg7[%swap3A_324], %gather3A_317 {strides = array<i32>} : memref<65536xf32, #tpu.memory_space<vmem>>, vector<16xf32>,
      %add3A_326 = arith.addi %mul3A_296, %min3A_30 : vector<16xi32>
      %gather3A_327 = tpu.vector_load_idx %arg6[%add3A_326] : memref<64xf32, #tpu.memory_space<vmem>>[vector<16xi32>], vector<16xf32>,
      %mul3A_328 = arith.constant 128 : i32
      %mul3A_329 = arith.muli %scan3A_284, %mul3A_328 : i32
      %add3A_330 = arith.constant 0 : i32
      %add3A_331 = arith.addi %add3A_330, %mul3A_329 : i32
      %add3A_332 = arith.constant 48 : i32
      %add3A_333 = arith.addi %add3A_331, %add3A_332 : i32
      %swap3A_334 = arith.index_cast %add3A_333 : i32 to index
      %swap3A_335 = tpu.vector_load %arg7[%swap3A_334] {strides = array<i32>} : memref<65536xf32, #tpu.memory_space<vmem>>, vector<16xf32>,
      tpu.vector_store %arg7[%swap3A_334], %gather3A_327 {strides = array<i32>} : memref<65536xf32, #tpu.memory_space<vmem>>, vector<16xf32>,
      %add3A_336 = arith.addi %mul3A_296, %min3A_38 : vector<16xi32>
      %gather3A_337 = tpu.vector_load_idx %arg6[%add3A_336] : memref<64xf32, #tpu.memory_space<vmem>>[vector<16xi32>], vector<16xf32>,
      %mul3A_338 = arith.constant 128 : i32
      %mul3A_339 = arith.muli %scan3A_284, %mul3A_338 : i32
      %add3A_340 = arith.constant 0 : i32
      %add3A_341 = arith.addi %add3A_340, %mul3A_339 : i32
      %add3A_342 = arith.constant 64 : i32
      %add3A_343 = arith.addi %add3A_341, %add3A_342 : i32
      %swap3A_344 = arith.index_cast %add3A_343 : i32 to index
      %swap3A_345 = tpu.vector_load %arg7[%swap3A_344] {strides = array<i32>} : memref<65536xf32, #tpu.memory_space<vmem>>, vector<16xf32>,
      tpu.vector_store %arg7[%swap3A_344], %gather3A_337 {strides = array<i32>} : memref<65536xf32, #tpu.memory_space<vmem>>, vector<16xf32>,
      %add3A_346 = arith.addi %mul3A_296, %min3A_46 : vector<16xi32>
      %gather3A_347 = tpu.vector_load_idx %arg6[%add3A_346] : memref<64xf32, #tpu.memory_space<vmem>>[vector<16xi32>], vector<16xf32>,
      %mul3A_348 = arith.constant 128 : i32
      %mul3A_349 = arith.muli %scan3A_284, %mul3A_348 : i32
      %add3A_350 = arith.constant 0 : i32
      %add3A_351 = arith.addi %add3A_350, %mul3A_349 : i32
      %add3A_352 = arith.constant 80 : i32
      %add3A_353 = arith.addi %add3A_351, %add3A_352 : i32
      %swap3A_354 = arith.index_cast %add3A_353 : i32 to index
      %swap3A_355 = tpu.vector_load %arg7[%swap3A_354] {strides = array<i32>} : memref<65536xf32, #tpu.memory_space<vmem>>, vector<16xf32>,
      tpu.vector_store %arg7[%swap3A_354], %gather3A_347 {strides = array<i32>} : memref<65536xf32, #tpu.memory_space<vmem>>, vector<16xf32>,
      %add3A_356 = arith.addi %mul3A_296, %min3A_54 : vector<16xi32>
      %gather3A_357 = tpu.vector_load_idx %arg6[%add3A_356] : memref<64xf32, #tpu.memory_space<vmem>>[vector<16xi32>], vector<16xf32>,
      %mul3A_358 = arith.constant 128 : i32
      %mul3A_359 = arith.muli %scan3A_284, %mul3A_358 : i32
      %add3A_360 = arith.constant 0 : i32
      %add3A_361 = arith.addi %add3A_360, %mul3A_359 : i32
      %add3A_362 = arith.constant 96 : i32
      %add3A_363 = arith.addi %add3A_361, %add3A_362 : i32
      %swap3A_364 = arith.index_cast %add3A_363 : i32 to index
      %swap3A_365 = tpu.vector_load %arg7[%swap3A_364] {strides = array<i32>} : memref<65536xf32, #tpu.memory_space<vmem>>, vector<16xf32>,
      tpu.vector_store %arg7[%swap3A_364], %gather3A_357 {strides = array<i32>} : memref<65536xf32, #tpu.memory_space<vmem>>, vector<16xf32>,
      %add3A_366 = arith.addi %mul3A_296, %min3A_62 : vector<16xi32>
      %gather3A_367 = tpu.vector_load_idx %arg6[%add3A_366] : memref<64xf32, #tpu.memory_space<vmem>>[vector<16xi32>], vector<16xf32>,
      %mul3A_368 = arith.constant 128 : i32
      %mul3A_369 = arith.muli %scan3A_284, %mul3A_368 : i32
      %add3A_370 = arith.constant 0 : i32
      %add3A_371 = arith.addi %add3A_370, %mul3A_369 : i32
      %add3A_372 = arith.constant 112 : i32
      %add3A_373 = arith.addi %add3A_371, %add3A_372 : i32
      %swap3A_374 = arith.index_cast %add3A_373 : i32 to index
      %swap3A_375 = tpu.vector_load %arg7[%swap3A_374] {strides = array<i32>} : memref<65536xf32, #tpu.memory_space<vmem>>, vector<16xf32>,
      tpu.vector_store %arg7[%swap3A_374], %gather3A_367 {strides = array<i32>} : memref<65536xf32, #tpu.memory_space<vmem>>, vector<16xf32>,
      %scan3A_376 = arith.constant 0 : i32
      scf.yield %scan3A_376 : i32
    }
    %scan3A_68 = arith.constant 128 : i32
    %get3A_69 = arith.constant 128 : index
    %get3A_70 = tpu.vector_load %arg5[%get3A_69] {strides = array<i32>} : memref<512xi32, #tpu.memory_space<vmem>>, vector<16xi32>,
    %jit3A_71 = arith.constant 0 : i32
    %jit3A_72 = arith.constant 7 : i32
    %max3A_73 = vector.broadcast %jit3A_71 : i32 to vector<16xi32>
    %max3A_74 = arith.maxsi %max3A_73, %get3A_70 : vector<16xi32>
    %min3A_75 = vector.broadcast %jit3A_72 : i32 to vector<16xi32>
    %min3A_76 = arith.minsi %min3A_75, %max3A_74 : vector<16xi32>
    %get3A_77 = arith.constant 144 : index
    %get3A_78 = tpu.vector_load %arg5[%get3A_77] {strides = array<i32>} : memref<512xi32, #tpu.memory_space<vmem>>, vector<16xi32>,
    %jit3A_79 = arith.constant 0 : i32
    %jit3A_80 = arith.constant 7 : i32
    %max3A_81 = vector.broadcast %jit3A_79 : i32 to vector<16xi32>
    %max3A_82 = arith.maxsi %max3A_81, %get3A_78 : vector<16xi32>
    %min3A_83 = vector.broadcast %jit3A_80 : i32 to vector<16xi32>
    %min3A_84 = arith.minsi %min3A_83, %max3A_82 : vector<16xi32>
    %get3A_85 = arith.constant 160 : index
    %get3A_86 = tpu.vector_load %arg5[%get3A_85] {strides = array<i32>} : memref<512xi32, #tpu.memory_space<vmem>>, vector<16xi32>,
    %jit3A_87 = arith.constant 0 : i32
    %jit3A_88 = arith.constant 7 : i32
    %max3A_89 = vector.broadcast %jit3A_87 : i32 to vector<16xi32>
    %max3A_90 = arith.maxsi %max3A_89, %get3A_86 : vector<16xi32>
    %min3A_91 = vector.broadcast %jit3A_88 : i32 to vector<16xi32>
    %min3A_92 = arith.minsi %min3A_91, %max3A_90 : vector<16xi32>
    %get3A_93 = arith.constant 176 : index
    %get3A_94 = tpu.vector_load %arg5[%get3A_93] {strides = array<i32>} : memref<512xi32, #tpu.memory_space<vmem>>, vector<16xi32>,
    %jit3A_95 = arith.constant 0 : i32
    %jit3A_96 = arith.constant 7 : i32
    %max3A_97 = vector.broadcast %jit3A_95 : i32 to vector<16xi32>
    %max3A_98 = arith.maxsi %max3A_97, %get3A_94 : vector<16xi32>
    %min3A_99 = vector.broadcast %jit3A_96 : i32 to vector<16xi32>
    %min3A_100 = arith.minsi %min3A_99, %max3A_98 : vector<16xi32>
    %get3A_101 = arith.constant 192 : index
    %get3A_102 = tpu.vector_load %arg5[%get3A_101] {strides = array<i32>} : memref<512xi32, #tpu.memory_space<vmem>>, vector<16xi32>,
    %jit3A_103 = arith.constant 0 : i32
    %jit3A_104 = arith.constant 7 : i32
    %max3A_105 = vector.broadcast %jit3A_103 : i32 to vector<16xi32>
    %max3A_106 = arith.maxsi %max3A_105, %get3A_102 : vector<16xi32>
    %min3A_107 = vector.broadcast %jit3A_104 : i32 to vector<16xi32>
    %min3A_108 = arith.minsi %min3A_107, %max3A_106 : vector<16xi32>
    %get3A_109 = arith.constant 208 : index
    %get3A_110 = tpu.vector_load %arg5[%get3A_109] {strides = array<i32>} : memref<512xi32, #tpu.memory_space<vmem>>, vector<16xi32>,
    %jit3A_111 = arith.constant 0 : i32
    %jit3A_112 = arith.constant 7 : i32
    %max3A_113 = vector.broadcast %jit3A_111 : i32 to vector<16xi32>
    %max3A_114 = arith.maxsi %max3A_113, %get3A_110 : vector<16xi32>
    %min3A_115 = vector.broadcast %jit3A_112 : i32 to vector<16xi32>
    %min3A_116 = arith.minsi %min3A_115, %max3A_114 : vector<16xi32>
    %get3A_117 = arith.constant 224 : index
    %get3A_118 = tpu.vector_load %arg5[%get3A_117] {strides = array<i32>} : memref<512xi32, #tpu.memory_space<vmem>>, vector<16xi32>,
    %jit3A_119 = arith.constant 0 : i32
    %jit3A_120 = arith.constant 7 : i32
    %max3A_121 = vector.broadcast %jit3A_119 : i32 to vector<16xi32>
    %max3A_122 = arith.maxsi %max3A_121, %get3A_118 : vector<16xi32>
    %min3A_123 = vector.broadcast %jit3A_120 : i32 to vector<16xi32>
    %min3A_124 = arith.minsi %min3A_123, %max3A_122 : vector<16xi32>
    %get3A_125 = arith.constant 240 : index
    %get3A_126 = tpu.vector_load %arg5[%get3A_125] {strides = array<i32>} : memref<512xi32, #tpu.memory_space<vmem>>, vector<16xi32>,
    %jit3A_127 = arith.constant 0 : i32
    %jit3A_128 = arith.constant 7 : i32
    %max3A_129 = vector.broadcast %jit3A_127 : i32 to vector<16xi32>
    %max3A_130 = arith.maxsi %max3A_129, %get3A_126 : vector<16xi32>
    %min3A_131 = vector.broadcast %jit3A_128 : i32 to vector<16xi32>
    %min3A_132 = arith.minsi %min3A_131, %max3A_130 : vector<16xi32>
    %scan3A_133 = arith.constant 0 : i32
    %scan3A_134 = arith.constant 0 : i32
    %scan3A_135 = arith.constant 128 : i32
    %scan3A_136 = arith.addi %scan3A_134, %scan3A_135 : i32
    %scan3A_137 = arith.constant 1 : i32
    %scan3A_138 = scf.for %scan3A_284 = %scan3A_134 to %scan3A_136 step %scan3A_137 iter_args(%scan3A_285 = %scan3A_133) -> (i32)  : i32 {
      %add3A_286 = arith.constant 128 : i32
      %add3A_287 = arith.addi %add3A_286, %scan3A_284 : i32
      %broadcast_in_dim3A = vector.broadcast %add3A_287 : i32 to vector<16xi32>
      %gather3A = tpu.vector_load_idx %arg5[%broadcast_in_dim3A] : memref<512xi32, #tpu.memory_space<vmem>>[vector<16xi32>], vector<16xi32>,
      %jit3A_288 = arith.constant 0 : i32
      %jit3A_289 = arith.constant 7 : i32
      %max3A_290 = vector.broadcast %jit3A_288 : i32 to vector<16xi32>
      %max3A_291 = arith.maxsi %max3A_290, %gather3A : vector<16xi32>
      %min3A_292 = vector.broadcast %jit3A_289 : i32 to vector<16xi32>
      %min3A_293 = arith.minsi %min3A_292, %max3A_291 : vector<16xi32>
      %mul3A_294 = arith.constant 8 : i32
      %mul3A_295 = vector.broadcast %mul3A_294 : i32 to vector<16xi32>
      %mul3A_296 = arith.muli %min3A_293, %mul3A_295 : vector<16xi32>
      %add3A_297 = arith.addi %mul3A_296, %min3A_76 : vector<16xi32>
      %gather3A_298 = tpu.vector_load_idx %arg6[%add3A_297] : memref<64xf32, #tpu.memory_space<vmem>>[vector<16xi32>], vector<16xf32>,
      %mul3A_299 = arith.constant 128 : i32
      %mul3A_300 = arith.muli %scan3A_284, %mul3A_299 : i32
      %add3A_301 = arith.constant 16384 : i32
      %add3A_302 = arith.addi %add3A_301, %mul3A_300 : i32
      %add3A_303 = arith.constant 0 : i32
      %add3A_304 = arith.addi %add3A_302, %add3A_303 : i32
      %swap3A = arith.index_cast %add3A_304 : i32 to index
      %swap3A_305 = tpu.vector_load %arg7[%swap3A] {strides = array<i32>} : memref<65536xf32, #tpu.memory_space<vmem>>, vector<16xf32>,
      tpu.vector_store %arg7[%swap3A], %gather3A_298 {strides = array<i32>} : memref<65536xf32, #tpu.memory_space<vmem>>, vector<16xf32>,
      %add3A_306 = arith.addi %mul3A_296, %min3A_84 : vector<16xi32>
      %gather3A_307 = tpu.vector_load_idx %arg6[%add3A_306] : memref<64xf32, #tpu.memory_space<vmem>>[vector<16xi32>], vector<16xf32>,
      %mul3A_308 = arith.constant 128 : i32
      %mul3A_309 = arith.muli %scan3A_284, %mul3A_308 : i32
      %add3A_310 = arith.constant 16384 : i32
      %add3A_311 = arith.addi %add3A_310, %mul3A_309 : i32
      %add3A_312 = arith.constant 16 : i32
      %add3A_313 = arith.addi %add3A_311, %add3A_312 : i32
      %swap3A_314 = arith.index_cast %add3A_313 : i32 to index
      %swap3A_315 = tpu.vector_load %arg7[%swap3A_314] {strides = array<i32>} : memref<65536xf32, #tpu.memory_space<vmem>>, vector<16xf32>,
      tpu.vector_store %arg7[%swap3A_314], %gather3A_307 {strides = array<i32>} : memref<65536xf32, #tpu.memory_space<vmem>>, vector<16xf32>,
      %add3A_316 = arith.addi %mul3A_296, %min3A_92 : vector<16xi32>
      %gather3A_317 = tpu.vector_load_idx %arg6[%add3A_316] : memref<64xf32, #tpu.memory_space<vmem>>[vector<16xi32>], vector<16xf32>,
      %mul3A_318 = arith.constant 128 : i32
      %mul3A_319 = arith.muli %scan3A_284, %mul3A_318 : i32
      %add3A_320 = arith.constant 16384 : i32
      %add3A_321 = arith.addi %add3A_320, %mul3A_319 : i32
      %add3A_322 = arith.constant 32 : i32
      %add3A_323 = arith.addi %add3A_321, %add3A_322 : i32
      %swap3A_324 = arith.index_cast %add3A_323 : i32 to index
      %swap3A_325 = tpu.vector_load %arg7[%swap3A_324] {strides = array<i32>} : memref<65536xf32, #tpu.memory_space<vmem>>, vector<16xf32>,
      tpu.vector_store %arg7[%swap3A_324], %gather3A_317 {strides = array<i32>} : memref<65536xf32, #tpu.memory_space<vmem>>, vector<16xf32>,
      %add3A_326 = arith.addi %mul3A_296, %min3A_100 : vector<16xi32>
      %gather3A_327 = tpu.vector_load_idx %arg6[%add3A_326] : memref<64xf32, #tpu.memory_space<vmem>>[vector<16xi32>], vector<16xf32>,
      %mul3A_328 = arith.constant 128 : i32
      %mul3A_329 = arith.muli %scan3A_284, %mul3A_328 : i32
      %add3A_330 = arith.constant 16384 : i32
      %add3A_331 = arith.addi %add3A_330, %mul3A_329 : i32
      %add3A_332 = arith.constant 48 : i32
      %add3A_333 = arith.addi %add3A_331, %add3A_332 : i32
      %swap3A_334 = arith.index_cast %add3A_333 : i32 to index
      %swap3A_335 = tpu.vector_load %arg7[%swap3A_334] {strides = array<i32>} : memref<65536xf32, #tpu.memory_space<vmem>>, vector<16xf32>,
      tpu.vector_store %arg7[%swap3A_334], %gather3A_327 {strides = array<i32>} : memref<65536xf32, #tpu.memory_space<vmem>>, vector<16xf32>,
      %add3A_336 = arith.addi %mul3A_296, %min3A_108 : vector<16xi32>
      %gather3A_337 = tpu.vector_load_idx %arg6[%add3A_336] : memref<64xf32, #tpu.memory_space<vmem>>[vector<16xi32>], vector<16xf32>,
      %mul3A_338 = arith.constant 128 : i32
      %mul3A_339 = arith.muli %scan3A_284, %mul3A_338 : i32
      %add3A_340 = arith.constant 16384 : i32
      %add3A_341 = arith.addi %add3A_340, %mul3A_339 : i32
      %add3A_342 = arith.constant 64 : i32
      %add3A_343 = arith.addi %add3A_341, %add3A_342 : i32
      %swap3A_344 = arith.index_cast %add3A_343 : i32 to index
      %swap3A_345 = tpu.vector_load %arg7[%swap3A_344] {strides = array<i32>} : memref<65536xf32, #tpu.memory_space<vmem>>, vector<16xf32>,
      tpu.vector_store %arg7[%swap3A_344], %gather3A_337 {strides = array<i32>} : memref<65536xf32, #tpu.memory_space<vmem>>, vector<16xf32>,
      %add3A_346 = arith.addi %mul3A_296, %min3A_116 : vector<16xi32>
      %gather3A_347 = tpu.vector_load_idx %arg6[%add3A_346] : memref<64xf32, #tpu.memory_space<vmem>>[vector<16xi32>], vector<16xf32>,
      %mul3A_348 = arith.constant 128 : i32
      %mul3A_349 = arith.muli %scan3A_284, %mul3A_348 : i32
      %add3A_350 = arith.constant 16384 : i32
      %add3A_351 = arith.addi %add3A_350, %mul3A_349 : i32
      %add3A_352 = arith.constant 80 : i32
      %add3A_353 = arith.addi %add3A_351, %add3A_352 : i32
      %swap3A_354 = arith.index_cast %add3A_353 : i32 to index
      %swap3A_355 = tpu.vector_load %arg7[%swap3A_354] {strides = array<i32>} : memref<65536xf32, #tpu.memory_space<vmem>>, vector<16xf32>,
      tpu.vector_store %arg7[%swap3A_354], %gather3A_347 {strides = array<i32>} : memref<65536xf32, #tpu.memory_space<vmem>>, vector<16xf32>,
      %add3A_356 = arith.addi %mul3A_296, %min3A_124 : vector<16xi32>
      %gather3A_357 = tpu.vector_load_idx %arg6[%add3A_356] : memref<64xf32, #tpu.memory_space<vmem>>[vector<16xi32>], vector<16xf32>,
      %mul3A_358 = arith.constant 128 : i32
      %mul3A_359 = arith.muli %scan3A_284, %mul3A_358 : i32
      %add3A_360 = arith.constant 16384 : i32
      %add3A_361 = arith.addi %add3A_360, %mul3A_359 : i32
      %add3A_362 = arith.constant 96 : i32
      %add3A_363 = arith.addi %add3A_361, %add3A_362 : i32
      %swap3A_364 = arith.index_cast %add3A_363 : i32 to index
      %swap3A_365 = tpu.vector_load %arg7[%swap3A_364] {strides = array<i32>} : memref<65536xf32, #tpu.memory_space<vmem>>, vector<16xf32>,
      tpu.vector_store %arg7[%swap3A_364], %gather3A_357 {strides = array<i32>} : memref<65536xf32, #tpu.memory_space<vmem>>, vector<16xf32>,
      %add3A_366 = arith.addi %mul3A_296, %min3A_132 : vector<16xi32>
      %gather3A_367 = tpu.vector_load_idx %arg6[%add3A_366] : memref<64xf32, #tpu.memory_space<vmem>>[vector<16xi32>], vector<16xf32>,
      %mul3A_368 = arith.constant 128 : i32
      %mul3A_369 = arith.muli %scan3A_284, %mul3A_368 : i32
      %add3A_370 = arith.constant 16384 : i32
      %add3A_371 = arith.addi %add3A_370, %mul3A_369 : i32
      %add3A_372 = arith.constant 112 : i32
      %add3A_373 = arith.addi %add3A_371, %add3A_372 : i32
      %swap3A_374 = arith.index_cast %add3A_373 : i32 to index
      %swap3A_375 = tpu.vector_load %arg7[%swap3A_374] {strides = array<i32>} : memref<65536xf32, #tpu.memory_space<vmem>>, vector<16xf32>,
      tpu.vector_store %arg7[%swap3A_374], %gather3A_367 {strides = array<i32>} : memref<65536xf32, #tpu.memory_space<vmem>>, vector<16xf32>,
      %scan3A_376 = arith.constant 0 : i32
      scf.yield %scan3A_376 : i32
    }
    %scan3A_139 = arith.constant 128 : i32
    %get3A_140 = arith.constant 256 : index
    %get3A_141 = tpu.vector_load %arg5[%get3A_140] {strides = array<i32>} : memref<512xi32, #tpu.memory_space<vmem>>, vector<16xi32>,
    %jit3A_142 = arith.constant 0 : i32
    %jit3A_143 = arith.constant 7 : i32
    %max3A_144 = vector.broadcast %jit3A_142 : i32 to vector<16xi32>
    %max3A_145 = arith.maxsi %max3A_144, %get3A_141 : vector<16xi32>
    %min3A_146 = vector.broadcast %jit3A_143 : i32 to vector<16xi32>
    %min3A_147 = arith.minsi %min3A_146, %max3A_145 : vector<16xi32>
    %get3A_148 = arith.constant 272 : index
    %get3A_149 = tpu.vector_load %arg5[%get3A_148] {strides = array<i32>} : memref<512xi32, #tpu.memory_space<vmem>>, vector<16xi32>,
    %jit3A_150 = arith.constant 0 : i32
    %jit3A_151 = arith.constant 7 : i32
    %max3A_152 = vector.broadcast %jit3A_150 : i32 to vector<16xi32>
    %max3A_153 = arith.maxsi %max3A_152, %get3A_149 : vector<16xi32>
    %min3A_154 = vector.broadcast %jit3A_151 : i32 to vector<16xi32>
    %min3A_155 = arith.minsi %min3A_154, %max3A_153 : vector<16xi32>
    %get3A_156 = arith.constant 288 : index
    %get3A_157 = tpu.vector_load %arg5[%get3A_156] {strides = array<i32>} : memref<512xi32, #tpu.memory_space<vmem>>, vector<16xi32>,
    %jit3A_158 = arith.constant 0 : i32
    %jit3A_159 = arith.constant 7 : i32
    %max3A_160 = vector.broadcast %jit3A_158 : i32 to vector<16xi32>
    %max3A_161 = arith.maxsi %max3A_160, %get3A_157 : vector<16xi32>
    %min3A_162 = vector.broadcast %jit3A_159 : i32 to vector<16xi32>
    %min3A_163 = arith.minsi %min3A_162, %max3A_161 : vector<16xi32>
    %get3A_164 = arith.constant 304 : index
    %get3A_165 = tpu.vector_load %arg5[%get3A_164] {strides = array<i32>} : memref<512xi32, #tpu.memory_space<vmem>>, vector<16xi32>,
    %jit3A_166 = arith.constant 0 : i32
    %jit3A_167 = arith.constant 7 : i32
    %max3A_168 = vector.broadcast %jit3A_166 : i32 to vector<16xi32>
    %max3A_169 = arith.maxsi %max3A_168, %get3A_165 : vector<16xi32>
    %min3A_170 = vector.broadcast %jit3A_167 : i32 to vector<16xi32>
    %min3A_171 = arith.minsi %min3A_170, %max3A_169 : vector<16xi32>
    %get3A_172 = arith.constant 320 : index
    %get3A_173 = tpu.vector_load %arg5[%get3A_172] {strides = array<i32>} : memref<512xi32, #tpu.memory_space<vmem>>, vector<16xi32>,
    %jit3A_174 = arith.constant 0 : i32
    %jit3A_175 = arith.constant 7 : i32
    %max3A_176 = vector.broadcast %jit3A_174 : i32 to vector<16xi32>
    %max3A_177 = arith.maxsi %max3A_176, %get3A_173 : vector<16xi32>
    %min3A_178 = vector.broadcast %jit3A_175 : i32 to vector<16xi32>
    %min3A_179 = arith.minsi %min3A_178, %max3A_177 : vector<16xi32>
    %get3A_180 = arith.constant 336 : index
    %get3A_181 = tpu.vector_load %arg5[%get3A_180] {strides = array<i32>} : memref<512xi32, #tpu.memory_space<vmem>>, vector<16xi32>,
    %jit3A_182 = arith.constant 0 : i32
    %jit3A_183 = arith.constant 7 : i32
    %max3A_184 = vector.broadcast %jit3A_182 : i32 to vector<16xi32>
    %max3A_185 = arith.maxsi %max3A_184, %get3A_181 : vector<16xi32>
    %min3A_186 = vector.broadcast %jit3A_183 : i32 to vector<16xi32>
    %min3A_187 = arith.minsi %min3A_186, %max3A_185 : vector<16xi32>
    %get3A_188 = arith.constant 352 : index
    %get3A_189 = tpu.vector_load %arg5[%get3A_188] {strides = array<i32>} : memref<512xi32, #tpu.memory_space<vmem>>, vector<16xi32>,
    %jit3A_190 = arith.constant 0 : i32
    %jit3A_191 = arith.constant 7 : i32
    %max3A_192 = vector.broadcast %jit3A_190 : i32 to vector<16xi32>
    %max3A_193 = arith.maxsi %max3A_192, %get3A_189 : vector<16xi32>
    %min3A_194 = vector.broadcast %jit3A_191 : i32 to vector<16xi32>
    %min3A_195 = arith.minsi %min3A_194, %max3A_193 : vector<16xi32>
    %get3A_196 = arith.constant 368 : index
    %get3A_197 = tpu.vector_load %arg5[%get3A_196] {strides = array<i32>} : memref<512xi32, #tpu.memory_space<vmem>>, vector<16xi32>,
    %jit3A_198 = arith.constant 0 : i32
    %jit3A_199 = arith.constant 7 : i32
    %max3A_200 = vector.broadcast %jit3A_198 : i32 to vector<16xi32>
    %max3A_201 = arith.maxsi %max3A_200, %get3A_197 : vector<16xi32>
    %min3A_202 = vector.broadcast %jit3A_199 : i32 to vector<16xi32>
    %min3A_203 = arith.minsi %min3A_202, %max3A_201 : vector<16xi32>
    %scan3A_204 = arith.constant 0 : i32
    %scan3A_205 = arith.constant 0 : i32
    %scan3A_206 = arith.constant 128 : i32
    %scan3A_207 = arith.addi %scan3A_205, %scan3A_206 : i32
    %scan3A_208 = arith.constant 1 : i32
    %scan3A_209 = scf.for %scan3A_284 = %scan3A_205 to %scan3A_207 step %scan3A_208 iter_args(%scan3A_285 = %scan3A_204) -> (i32)  : i32 {
      %add3A_286 = arith.constant 256 : i32
      %add3A_287 = arith.addi %add3A_286, %scan3A_284 : i32
      %broadcast_in_dim3A = vector.broadcast %add3A_287 : i32 to vector<16xi32>
      %gather3A = tpu.vector_load_idx %arg5[%broadcast_in_dim3A] : memref<512xi32, #tpu.memory_space<vmem>>[vector<16xi32>], vector<16xi32>,
      %jit3A_288 = arith.constant 0 : i32
      %jit3A_289 = arith.constant 7 : i32
      %max3A_290 = vector.broadcast %jit3A_288 : i32 to vector<16xi32>
      %max3A_291 = arith.maxsi %max3A_290, %gather3A : vector<16xi32>
      %min3A_292 = vector.broadcast %jit3A_289 : i32 to vector<16xi32>
      %min3A_293 = arith.minsi %min3A_292, %max3A_291 : vector<16xi32>
      %mul3A_294 = arith.constant 8 : i32
      %mul3A_295 = vector.broadcast %mul3A_294 : i32 to vector<16xi32>
      %mul3A_296 = arith.muli %min3A_293, %mul3A_295 : vector<16xi32>
      %add3A_297 = arith.addi %mul3A_296, %min3A_147 : vector<16xi32>
      %gather3A_298 = tpu.vector_load_idx %arg6[%add3A_297] : memref<64xf32, #tpu.memory_space<vmem>>[vector<16xi32>], vector<16xf32>,
      %mul3A_299 = arith.constant 128 : i32
      %mul3A_300 = arith.muli %scan3A_284, %mul3A_299 : i32
      %add3A_301 = arith.constant 32768 : i32
      %add3A_302 = arith.addi %add3A_301, %mul3A_300 : i32
      %add3A_303 = arith.constant 0 : i32
      %add3A_304 = arith.addi %add3A_302, %add3A_303 : i32
      %swap3A = arith.index_cast %add3A_304 : i32 to index
      %swap3A_305 = tpu.vector_load %arg7[%swap3A] {strides = array<i32>} : memref<65536xf32, #tpu.memory_space<vmem>>, vector<16xf32>,
      tpu.vector_store %arg7[%swap3A], %gather3A_298 {strides = array<i32>} : memref<65536xf32, #tpu.memory_space<vmem>>, vector<16xf32>,
      %add3A_306 = arith.addi %mul3A_296, %min3A_155 : vector<16xi32>
      %gather3A_307 = tpu.vector_load_idx %arg6[%add3A_306] : memref<64xf32, #tpu.memory_space<vmem>>[vector<16xi32>], vector<16xf32>,
      %mul3A_308 = arith.constant 128 : i32
      %mul3A_309 = arith.muli %scan3A_284, %mul3A_308 : i32
      %add3A_310 = arith.constant 32768 : i32
      %add3A_311 = arith.addi %add3A_310, %mul3A_309 : i32
      %add3A_312 = arith.constant 16 : i32
      %add3A_313 = arith.addi %add3A_311, %add3A_312 : i32
      %swap3A_314 = arith.index_cast %add3A_313 : i32 to index
      %swap3A_315 = tpu.vector_load %arg7[%swap3A_314] {strides = array<i32>} : memref<65536xf32, #tpu.memory_space<vmem>>, vector<16xf32>,
      tpu.vector_store %arg7[%swap3A_314], %gather3A_307 {strides = array<i32>} : memref<65536xf32, #tpu.memory_space<vmem>>, vector<16xf32>,
      %add3A_316 = arith.addi %mul3A_296, %min3A_163 : vector<16xi32>
      %gather3A_317 = tpu.vector_load_idx %arg6[%add3A_316] : memref<64xf32, #tpu.memory_space<vmem>>[vector<16xi32>], vector<16xf32>,
      %mul3A_318 = arith.constant 128 : i32
      %mul3A_319 = arith.muli %scan3A_284, %mul3A_318 : i32
      %add3A_320 = arith.constant 32768 : i32
      %add3A_321 = arith.addi %add3A_320, %mul3A_319 : i32
      %add3A_322 = arith.constant 32 : i32
      %add3A_323 = arith.addi %add3A_321, %add3A_322 : i32
      %swap3A_324 = arith.index_cast %add3A_323 : i32 to index
      %swap3A_325 = tpu.vector_load %arg7[%swap3A_324] {strides = array<i32>} : memref<65536xf32, #tpu.memory_space<vmem>>, vector<16xf32>,
      tpu.vector_store %arg7[%swap3A_324], %gather3A_317 {strides = array<i32>} : memref<65536xf32, #tpu.memory_space<vmem>>, vector<16xf32>,
      %add3A_326 = arith.addi %mul3A_296, %min3A_171 : vector<16xi32>
      %gather3A_327 = tpu.vector_load_idx %arg6[%add3A_326] : memref<64xf32, #tpu.memory_space<vmem>>[vector<16xi32>], vector<16xf32>,
      %mul3A_328 = arith.constant 128 : i32
      %mul3A_329 = arith.muli %scan3A_284, %mul3A_328 : i32
      %add3A_330 = arith.constant 32768 : i32
      %add3A_331 = arith.addi %add3A_330, %mul3A_329 : i32
      %add3A_332 = arith.constant 48 : i32
      %add3A_333 = arith.addi %add3A_331, %add3A_332 : i32
      %swap3A_334 = arith.index_cast %add3A_333 : i32 to index
      %swap3A_335 = tpu.vector_load %arg7[%swap3A_334] {strides = array<i32>} : memref<65536xf32, #tpu.memory_space<vmem>>, vector<16xf32>,
      tpu.vector_store %arg7[%swap3A_334], %gather3A_327 {strides = array<i32>} : memref<65536xf32, #tpu.memory_space<vmem>>, vector<16xf32>,
      %add3A_336 = arith.addi %mul3A_296, %min3A_179 : vector<16xi32>
      %gather3A_337 = tpu.vector_load_idx %arg6[%add3A_336] : memref<64xf32, #tpu.memory_space<vmem>>[vector<16xi32>], vector<16xf32>,
      %mul3A_338 = arith.constant 128 : i32
      %mul3A_339 = arith.muli %scan3A_284, %mul3A_338 : i32
      %add3A_340 = arith.constant 32768 : i32
      %add3A_341 = arith.addi %add3A_340, %mul3A_339 : i32
      %add3A_342 = arith.constant 64 : i32
      %add3A_343 = arith.addi %add3A_341, %add3A_342 : i32
      %swap3A_344 = arith.index_cast %add3A_343 : i32 to index
      %swap3A_345 = tpu.vector_load %arg7[%swap3A_344] {strides = array<i32>} : memref<65536xf32, #tpu.memory_space<vmem>>, vector<16xf32>,
      tpu.vector_store %arg7[%swap3A_344], %gather3A_337 {strides = array<i32>} : memref<65536xf32, #tpu.memory_space<vmem>>, vector<16xf32>,
      %add3A_346 = arith.addi %mul3A_296, %min3A_187 : vector<16xi32>
      %gather3A_347 = tpu.vector_load_idx %arg6[%add3A_346] : memref<64xf32, #tpu.memory_space<vmem>>[vector<16xi32>], vector<16xf32>,
      %mul3A_348 = arith.constant 128 : i32
      %mul3A_349 = arith.muli %scan3A_284, %mul3A_348 : i32
      %add3A_350 = arith.constant 32768 : i32
      %add3A_351 = arith.addi %add3A_350, %mul3A_349 : i32
      %add3A_352 = arith.constant 80 : i32
      %add3A_353 = arith.addi %add3A_351, %add3A_352 : i32
      %swap3A_354 = arith.index_cast %add3A_353 : i32 to index
      %swap3A_355 = tpu.vector_load %arg7[%swap3A_354] {strides = array<i32>} : memref<65536xf32, #tpu.memory_space<vmem>>, vector<16xf32>,
      tpu.vector_store %arg7[%swap3A_354], %gather3A_347 {strides = array<i32>} : memref<65536xf32, #tpu.memory_space<vmem>>, vector<16xf32>,
      %add3A_356 = arith.addi %mul3A_296, %min3A_195 : vector<16xi32>
      %gather3A_357 = tpu.vector_load_idx %arg6[%add3A_356] : memref<64xf32, #tpu.memory_space<vmem>>[vector<16xi32>], vector<16xf32>,
      %mul3A_358 = arith.constant 128 : i32
      %mul3A_359 = arith.muli %scan3A_284, %mul3A_358 : i32
      %add3A_360 = arith.constant 32768 : i32
      %add3A_361 = arith.addi %add3A_360, %mul3A_359 : i32
      %add3A_362 = arith.constant 96 : i32
      %add3A_363 = arith.addi %add3A_361, %add3A_362 : i32
      %swap3A_364 = arith.index_cast %add3A_363 : i32 to index
      %swap3A_365 = tpu.vector_load %arg7[%swap3A_364] {strides = array<i32>} : memref<65536xf32, #tpu.memory_space<vmem>>, vector<16xf32>,
      tpu.vector_store %arg7[%swap3A_364], %gather3A_357 {strides = array<i32>} : memref<65536xf32, #tpu.memory_space<vmem>>, vector<16xf32>,
      %add3A_366 = arith.addi %mul3A_296, %min3A_203 : vector<16xi32>
      %gather3A_367 = tpu.vector_load_idx %arg6[%add3A_366] : memref<64xf32, #tpu.memory_space<vmem>>[vector<16xi32>], vector<16xf32>,
      %mul3A_368 = arith.constant 128 : i32
      %mul3A_369 = arith.muli %scan3A_284, %mul3A_368 : i32
      %add3A_370 = arith.constant 32768 : i32
      %add3A_371 = arith.addi %add3A_370, %mul3A_369 : i32
      %add3A_372 = arith.constant 112 : i32
      %add3A_373 = arith.addi %add3A_371, %add3A_372 : i32
      %swap3A_374 = arith.index_cast %add3A_373 : i32 to index
      %swap3A_375 = tpu.vector_load %arg7[%swap3A_374] {strides = array<i32>} : memref<65536xf32, #tpu.memory_space<vmem>>, vector<16xf32>,
      tpu.vector_store %arg7[%swap3A_374], %gather3A_367 {strides = array<i32>} : memref<65536xf32, #tpu.memory_space<vmem>>, vector<16xf32>,
      %scan3A_376 = arith.constant 0 : i32
      scf.yield %scan3A_376 : i32
    }
    %scan3A_210 = arith.constant 128 : i32
    %get3A_211 = arith.constant 384 : index
    %get3A_212 = tpu.vector_load %arg5[%get3A_211] {strides = array<i32>} : memref<512xi32, #tpu.memory_space<vmem>>, vector<16xi32>,
    %jit3A_213 = arith.constant 0 : i32
    %jit3A_214 = arith.constant 7 : i32
    %max3A_215 = vector.broadcast %jit3A_213 : i32 to vector<16xi32>
    %max3A_216 = arith.maxsi %max3A_215, %get3A_212 : vector<16xi32>
    %min3A_217 = vector.broadcast %jit3A_214 : i32 to vector<16xi32>
    %min3A_218 = arith.minsi %min3A_217, %max3A_216 : vector<16xi32>
    %get3A_219 = arith.constant 400 : index
    %get3A_220 = tpu.vector_load %arg5[%get3A_219] {strides = array<i32>} : memref<512xi32, #tpu.memory_space<vmem>>, vector<16xi32>,
    %jit3A_221 = arith.constant 0 : i32
    %jit3A_222 = arith.constant 7 : i32
    %max3A_223 = vector.broadcast %jit3A_221 : i32 to vector<16xi32>
    %max3A_224 = arith.maxsi %max3A_223, %get3A_220 : vector<16xi32>
    %min3A_225 = vector.broadcast %jit3A_222 : i32 to vector<16xi32>
    %min3A_226 = arith.minsi %min3A_225, %max3A_224 : vector<16xi32>
    %get3A_227 = arith.constant 416 : index
    %get3A_228 = tpu.vector_load %arg5[%get3A_227] {strides = array<i32>} : memref<512xi32, #tpu.memory_space<vmem>>, vector<16xi32>,
    %jit3A_229 = arith.constant 0 : i32
    %jit3A_230 = arith.constant 7 : i32
    %max3A_231 = vector.broadcast %jit3A_229 : i32 to vector<16xi32>
    %max3A_232 = arith.maxsi %max3A_231, %get3A_228 : vector<16xi32>
    %min3A_233 = vector.broadcast %jit3A_230 : i32 to vector<16xi32>
    %min3A_234 = arith.minsi %min3A_233, %max3A_232 : vector<16xi32>
    %get3A_235 = arith.constant 432 : index
    %get3A_236 = tpu.vector_load %arg5[%get3A_235] {strides = array<i32>} : memref<512xi32, #tpu.memory_space<vmem>>, vector<16xi32>,
    %jit3A_237 = arith.constant 0 : i32
    %jit3A_238 = arith.constant 7 : i32
    %max3A_239 = vector.broadcast %jit3A_237 : i32 to vector<16xi32>
    %max3A_240 = arith.maxsi %max3A_239, %get3A_236 : vector<16xi32>
    %min3A_241 = vector.broadcast %jit3A_238 : i32 to vector<16xi32>
    %min3A_242 = arith.minsi %min3A_241, %max3A_240 : vector<16xi32>
    %get3A_243 = arith.constant 448 : index
    %get3A_244 = tpu.vector_load %arg5[%get3A_243] {strides = array<i32>} : memref<512xi32, #tpu.memory_space<vmem>>, vector<16xi32>,
    %jit3A_245 = arith.constant 0 : i32
    %jit3A_246 = arith.constant 7 : i32
    %max3A_247 = vector.broadcast %jit3A_245 : i32 to vector<16xi32>
    %max3A_248 = arith.maxsi %max3A_247, %get3A_244 : vector<16xi32>
    %min3A_249 = vector.broadcast %jit3A_246 : i32 to vector<16xi32>
    %min3A_250 = arith.minsi %min3A_249, %max3A_248 : vector<16xi32>
    %get3A_251 = arith.constant 464 : index
    %get3A_252 = tpu.vector_load %arg5[%get3A_251] {strides = array<i32>} : memref<512xi32, #tpu.memory_space<vmem>>, vector<16xi32>,
    %jit3A_253 = arith.constant 0 : i32
    %jit3A_254 = arith.constant 7 : i32
    %max3A_255 = vector.broadcast %jit3A_253 : i32 to vector<16xi32>
    %max3A_256 = arith.maxsi %max3A_255, %get3A_252 : vector<16xi32>
    %min3A_257 = vector.broadcast %jit3A_254 : i32 to vector<16xi32>
    %min3A_258 = arith.minsi %min3A_257, %max3A_256 : vector<16xi32>
    %get3A_259 = arith.constant 480 : index
    %get3A_260 = tpu.vector_load %arg5[%get3A_259] {strides = array<i32>} : memref<512xi32, #tpu.memory_space<vmem>>, vector<16xi32>,
    %jit3A_261 = arith.constant 0 : i32
    %jit3A_262 = arith.constant 7 : i32
    %max3A_263 = vector.broadcast %jit3A_261 : i32 to vector<16xi32>
    %max3A_264 = arith.maxsi %max3A_263, %get3A_260 : vector<16xi32>
    %min3A_265 = vector.broadcast %jit3A_262 : i32 to vector<16xi32>
    %min3A_266 = arith.minsi %min3A_265, %max3A_264 : vector<16xi32>
    %get3A_267 = arith.constant 496 : index
    %get3A_268 = tpu.vector_load %arg5[%get3A_267] {strides = array<i32>} : memref<512xi32, #tpu.memory_space<vmem>>, vector<16xi32>,
    %jit3A_269 = arith.constant 0 : i32
    %jit3A_270 = arith.constant 7 : i32
    %max3A_271 = vector.broadcast %jit3A_269 : i32 to vector<16xi32>
    %max3A_272 = arith.maxsi %max3A_271, %get3A_268 : vector<16xi32>
    %min3A_273 = vector.broadcast %jit3A_270 : i32 to vector<16xi32>
    %min3A_274 = arith.minsi %min3A_273, %max3A_272 : vector<16xi32>
    %scan3A_275 = arith.constant 0 : i32
    %scan3A_276 = arith.constant 0 : i32
    %scan3A_277 = arith.constant 128 : i32
    %scan3A_278 = arith.addi %scan3A_276, %scan3A_277 : i32
    %scan3A_279 = arith.constant 1 : i32
    %scan3A_280 = scf.for %scan3A_284 = %scan3A_276 to %scan3A_278 step %scan3A_279 iter_args(%scan3A_285 = %scan3A_275) -> (i32)  : i32 {
      %add3A_286 = arith.constant 384 : i32
      %add3A_287 = arith.addi %add3A_286, %scan3A_284 : i32
      %broadcast_in_dim3A = vector.broadcast %add3A_287 : i32 to vector<16xi32>
      %gather3A = tpu.vector_load_idx %arg5[%broadcast_in_dim3A] : memref<512xi32, #tpu.memory_space<vmem>>[vector<16xi32>], vector<16xi32>,
      %jit3A_288 = arith.constant 0 : i32
      %jit3A_289 = arith.constant 7 : i32
      %max3A_290 = vector.broadcast %jit3A_288 : i32 to vector<16xi32>
      %max3A_291 = arith.maxsi %max3A_290, %gather3A : vector<16xi32>
      %min3A_292 = vector.broadcast %jit3A_289 : i32 to vector<16xi32>
      %min3A_293 = arith.minsi %min3A_292, %max3A_291 : vector<16xi32>
      %mul3A_294 = arith.constant 8 : i32
      %mul3A_295 = vector.broadcast %mul3A_294 : i32 to vector<16xi32>
      %mul3A_296 = arith.muli %min3A_293, %mul3A_295 : vector<16xi32>
      %add3A_297 = arith.addi %mul3A_296, %min3A_218 : vector<16xi32>
      %gather3A_298 = tpu.vector_load_idx %arg6[%add3A_297] : memref<64xf32, #tpu.memory_space<vmem>>[vector<16xi32>], vector<16xf32>,
      %mul3A_299 = arith.constant 128 : i32
      %mul3A_300 = arith.muli %scan3A_284, %mul3A_299 : i32
      %add3A_301 = arith.constant 49152 : i32
      %add3A_302 = arith.addi %add3A_301, %mul3A_300 : i32
      %add3A_303 = arith.constant 0 : i32
      %add3A_304 = arith.addi %add3A_302, %add3A_303 : i32
      %swap3A = arith.index_cast %add3A_304 : i32 to index
      %swap3A_305 = tpu.vector_load %arg7[%swap3A] {strides = array<i32>} : memref<65536xf32, #tpu.memory_space<vmem>>, vector<16xf32>,
      tpu.vector_store %arg7[%swap3A], %gather3A_298 {strides = array<i32>} : memref<65536xf32, #tpu.memory_space<vmem>>, vector<16xf32>,
      %add3A_306 = arith.addi %mul3A_296, %min3A_226 : vector<16xi32>
      %gather3A_307 = tpu.vector_load_idx %arg6[%add3A_306] : memref<64xf32, #tpu.memory_space<vmem>>[vector<16xi32>], vector<16xf32>,
      %mul3A_308 = arith.constant 128 : i32
      %mul3A_309 = arith.muli %scan3A_284, %mul3A_308 : i32
      %add3A_310 = arith.constant 49152 : i32
      %add3A_311 = arith.addi %add3A_310, %mul3A_309 : i32
      %add3A_312 = arith.constant 16 : i32
      %add3A_313 = arith.addi %add3A_311, %add3A_312 : i32
      %swap3A_314 = arith.index_cast %add3A_313 : i32 to index
      %swap3A_315 = tpu.vector_load %arg7[%swap3A_314] {strides = array<i32>} : memref<65536xf32, #tpu.memory_space<vmem>>, vector<16xf32>,
      tpu.vector_store %arg7[%swap3A_314], %gather3A_307 {strides = array<i32>} : memref<65536xf32, #tpu.memory_space<vmem>>, vector<16xf32>,
      %add3A_316 = arith.addi %mul3A_296, %min3A_234 : vector<16xi32>
      %gather3A_317 = tpu.vector_load_idx %arg6[%add3A_316] : memref<64xf32, #tpu.memory_space<vmem>>[vector<16xi32>], vector<16xf32>,
      %mul3A_318 = arith.constant 128 : i32
      %mul3A_319 = arith.muli %scan3A_284, %mul3A_318 : i32
      %add3A_320 = arith.constant 49152 : i32
      %add3A_321 = arith.addi %add3A_320, %mul3A_319 : i32
      %add3A_322 = arith.constant 32 : i32
      %add3A_323 = arith.addi %add3A_321, %add3A_322 : i32
      %swap3A_324 = arith.index_cast %add3A_323 : i32 to index
      %swap3A_325 = tpu.vector_load %arg7[%swap3A_324] {strides = array<i32>} : memref<65536xf32, #tpu.memory_space<vmem>>, vector<16xf32>,
      tpu.vector_store %arg7[%swap3A_324], %gather3A_317 {strides = array<i32>} : memref<65536xf32, #tpu.memory_space<vmem>>, vector<16xf32>,
      %add3A_326 = arith.addi %mul3A_296, %min3A_242 : vector<16xi32>
      %gather3A_327 = tpu.vector_load_idx %arg6[%add3A_326] : memref<64xf32, #tpu.memory_space<vmem>>[vector<16xi32>], vector<16xf32>,
      %mul3A_328 = arith.constant 128 : i32
      %mul3A_329 = arith.muli %scan3A_284, %mul3A_328 : i32
      %add3A_330 = arith.constant 49152 : i32
      %add3A_331 = arith.addi %add3A_330, %mul3A_329 : i32
      %add3A_332 = arith.constant 48 : i32
      %add3A_333 = arith.addi %add3A_331, %add3A_332 : i32
      %swap3A_334 = arith.index_cast %add3A_333 : i32 to index
      %swap3A_335 = tpu.vector_load %arg7[%swap3A_334] {strides = array<i32>} : memref<65536xf32, #tpu.memory_space<vmem>>, vector<16xf32>,
      tpu.vector_store %arg7[%swap3A_334], %gather3A_327 {strides = array<i32>} : memref<65536xf32, #tpu.memory_space<vmem>>, vector<16xf32>,
      %add3A_336 = arith.addi %mul3A_296, %min3A_250 : vector<16xi32>
      %gather3A_337 = tpu.vector_load_idx %arg6[%add3A_336] : memref<64xf32, #tpu.memory_space<vmem>>[vector<16xi32>], vector<16xf32>,
      %mul3A_338 = arith.constant 128 : i32
      %mul3A_339 = arith.muli %scan3A_284, %mul3A_338 : i32
      %add3A_340 = arith.constant 49152 : i32
      %add3A_341 = arith.addi %add3A_340, %mul3A_339 : i32
      %add3A_342 = arith.constant 64 : i32
      %add3A_343 = arith.addi %add3A_341, %add3A_342 : i32
      %swap3A_344 = arith.index_cast %add3A_343 : i32 to index
      %swap3A_345 = tpu.vector_load %arg7[%swap3A_344] {strides = array<i32>} : memref<65536xf32, #tpu.memory_space<vmem>>, vector<16xf32>,
      tpu.vector_store %arg7[%swap3A_344], %gather3A_337 {strides = array<i32>} : memref<65536xf32, #tpu.memory_space<vmem>>, vector<16xf32>,
      %add3A_346 = arith.addi %mul3A_296, %min3A_258 : vector<16xi32>
      %gather3A_347 = tpu.vector_load_idx %arg6[%add3A_346] : memref<64xf32, #tpu.memory_space<vmem>>[vector<16xi32>], vector<16xf32>,
      %mul3A_348 = arith.constant 128 : i32
      %mul3A_349 = arith.muli %scan3A_284, %mul3A_348 : i32
      %add3A_350 = arith.constant 49152 : i32
      %add3A_351 = arith.addi %add3A_350, %mul3A_349 : i32
      %add3A_352 = arith.constant 80 : i32
      %add3A_353 = arith.addi %add3A_351, %add3A_352 : i32
      %swap3A_354 = arith.index_cast %add3A_353 : i32 to index
      %swap3A_355 = tpu.vector_load %arg7[%swap3A_354] {strides = array<i32>} : memref<65536xf32, #tpu.memory_space<vmem>>, vector<16xf32>,
      tpu.vector_store %arg7[%swap3A_354], %gather3A_347 {strides = array<i32>} : memref<65536xf32, #tpu.memory_space<vmem>>, vector<16xf32>,
      %add3A_356 = arith.addi %mul3A_296, %min3A_266 : vector<16xi32>
      %gather3A_357 = tpu.vector_load_idx %arg6[%add3A_356] : memref<64xf32, #tpu.memory_space<vmem>>[vector<16xi32>], vector<16xf32>,
      %mul3A_358 = arith.constant 128 : i32
      %mul3A_359 = arith.muli %scan3A_284, %mul3A_358 : i32
      %add3A_360 = arith.constant 49152 : i32
      %add3A_361 = arith.addi %add3A_360, %mul3A_359 : i32
      %add3A_362 = arith.constant 96 : i32
      %add3A_363 = arith.addi %add3A_361, %add3A_362 : i32
      %swap3A_364 = arith.index_cast %add3A_363 : i32 to index
      %swap3A_365 = tpu.vector_load %arg7[%swap3A_364] {strides = array<i32>} : memref<65536xf32, #tpu.memory_space<vmem>>, vector<16xf32>,
      tpu.vector_store %arg7[%swap3A_364], %gather3A_357 {strides = array<i32>} : memref<65536xf32, #tpu.memory_space<vmem>>, vector<16xf32>,
      %add3A_366 = arith.addi %mul3A_296, %min3A_274 : vector<16xi32>
      %gather3A_367 = tpu.vector_load_idx %arg6[%add3A_366] : memref<64xf32, #tpu.memory_space<vmem>>[vector<16xi32>], vector<16xf32>,
      %mul3A_368 = arith.constant 128 : i32
      %mul3A_369 = arith.muli %scan3A_284, %mul3A_368 : i32
      %add3A_370 = arith.constant 49152 : i32
      %add3A_371 = arith.addi %add3A_370, %mul3A_369 : i32
      %add3A_372 = arith.constant 112 : i32
      %add3A_373 = arith.addi %add3A_371, %add3A_372 : i32
      %swap3A_374 = arith.index_cast %add3A_373 : i32 to index
      %swap3A_375 = tpu.vector_load %arg7[%swap3A_374] {strides = array<i32>} : memref<65536xf32, #tpu.memory_space<vmem>>, vector<16xf32>,
      tpu.vector_store %arg7[%swap3A_374], %gather3A_367 {strides = array<i32>} : memref<65536xf32, #tpu.memory_space<vmem>>, vector<16xf32>,
      %scan3A_376 = arith.constant 0 : i32
      scf.yield %scan3A_376 : i32
    }
    %scan3A_281 = arith.constant 128 : i32
    %mul3A_282 = arith.constant 128 : i32
    %mul3A_283 = arith.muli %mul3A_2, %mul3A_282 : i32
    "tpu.region"() ({
      %run_scoped3A = tpu.sem_alloc : memref<!tpu.dma_semaphore, #tpu.memory_space<semaphore_mem>>
      %dma_start3A = tpu.memref_slice %arg4[%mul3A_283] : memref<2097152xf32, #tpu.memory_space<hbm>> -> memref<65536xf32, #tpu.memory_space<hbm>>
      %dma_start3A_284 = tpu.memref_slice %arg4[%mul3A_283] : memref<2097152xf32, #tpu.memory_space<hbm>> -> memref<65536xf32, #tpu.memory_space<hbm>>
      tpu.enqueue_dma source(%arg7 : memref<65536xf32, #tpu.memory_space<vmem>>) target(%dma_start3A_284 : memref<65536xf32, #tpu.memory_space<hbm>>) target_semaphore(%run_scoped3A : memref<!tpu.dma_semaphore, #tpu.memory_space<semaphore_mem>>)
      %dma_wait3A = tpu.memref_slice %arg4[%mul3A_283] : memref<2097152xf32, #tpu.memory_space<hbm>> -> memref<65536xf32, #tpu.memory_space<hbm>>
      %dma_wait3A_285 = tpu.memref_slice %arg4[%mul3A_283] : memref<2097152xf32, #tpu.memory_space<hbm>> -> memref<65536xf32, #tpu.memory_space<hbm>>
      tpu.wait_dma2 semaphore(%run_scoped3A : memref<!tpu.dma_semaphore, #tpu.memory_space<semaphore_mem>>) src(%arg7 : memref<65536xf32, #tpu.memory_space<vmem>>) dst(%dma_wait3A_285 : memref<65536xf32, #tpu.memory_space<hbm>>)
      tpu.yield
    }) : () -> ()
    return
  }
}

module attributes {stable_mosaic.version = 14 : i64} {
  func.func @_bias_tc_kernel(%arg0: i32, %arg1: memref<8x128x128xf32, #tpu.memory_space<vmem>>, %arg2: memref<1x16xf32, #tpu.memory_space<vmem>>, %arg3: memref<1x16xf32, #tpu.memory_space<vmem>>, %arg4: memref<1x1xf32, #tpu.memory_space<vmem>>, %arg5: memref<8x16x128x128xf32, #tpu.memory_space<vmem>>) attributes {dimension_semantics = [#tpu.dimension_semantics<arbitrary>], iteration_bounds = array<i64: 16>, scalar_prefetch = 0 : i64, scratch_operands = 0 : i64, tpu.core_type = #tpu.core_type<tc>, window_params = [{transform_indices = @transform_0, window_bounds = array<i64: 8, 128, 128>}, {pipeline_mode = #tpu.pipeline_mode<synchronous>, transform_indices = @transform_1, window_bounds = array<i64: 1, 16>}, {pipeline_mode = #tpu.pipeline_mode<synchronous>, transform_indices = @transform_2, window_bounds = array<i64: 1, 16>}, {pipeline_mode = #tpu.pipeline_mode<synchronous>, transform_indices = @transform_3, window_bounds = array<i64: 1, 1>}, {transform_indices = @transform_4, window_bounds = array<i64: 8, 16, 128, 128>}]} {
    %get3A = arith.constant 0 : index
    %get3A_0 = arith.constant 0 : index
    %get3A_1 = arith.constant 0 : index
    %get3A_2 = vector.load %arg1[%get3A, %get3A_0, %get3A_1] : memref<8x128x128xf32, #tpu.memory_space<vmem>>, vector<8x128x128xf32>
    %get3A_3 = arith.constant 0 : index
    %get3A_4 = arith.constant 0 : index
    %get3A_5 = vector.load %arg4[%get3A_3, %get3A_4] : memref<1x1xf32, #tpu.memory_space<vmem>>, vector<1x1xf32>
    %get3A_6 = vector.extract %get3A_5[0, 0] : f32 from vector<1x1xf32>
    %tanh3A = math.tanh %get3A_6 : f32
    %get3A_7 = arith.constant 0 : index
    %get3A_8 = arith.constant 0 : index
    %get3A_9 = vector.load %arg2[%get3A_7, %get3A_8] : memref<1x16xf32, #tpu.memory_space<vmem>>, vector<1x16xf32>
    %get3A_10 = vector.shape_cast %get3A_9 : vector<1x16xf32> to vector<16xf32>
    %mul3A = vector.broadcast %tanh3A : f32 to vector<16xf32>
    %mul3A_11 = arith.mulf %mul3A, %get3A_10 : vector<16xf32>
    %get3A_12 = arith.constant 0 : index
    %get3A_13 = arith.constant 0 : index
    %get3A_14 = vector.load %arg3[%get3A_12, %get3A_13] : memref<1x16xf32, #tpu.memory_space<vmem>>, vector<1x16xf32>
    %get3A_15 = vector.shape_cast %get3A_14 : vector<1x16xf32> to vector<16xf32>
    %mul3A_16 = vector.broadcast %tanh3A : f32 to vector<16xf32>
    %mul3A_17 = arith.mulf %mul3A_16, %get3A_15 : vector<16xf32>
    %broadcast_in_dim3A = vector.shape_cast %get3A_2 : vector<8x128x128xf32> to vector<8x1x128x128xf32>
    %broadcast_in_dim3A_18 = vector.shape_cast %mul3A_11 : vector<16xf32> to vector<1x16x1x1xf32>
    %mul3A_19 = vector.broadcast %broadcast_in_dim3A : vector<8x1x128x128xf32> to vector<8x16x128x128xf32>
    %mul3A_20 = vector.broadcast %broadcast_in_dim3A_18 : vector<1x16x1x1xf32> to vector<8x16x128x128xf32>
    %mul3A_21 = arith.mulf %mul3A_19, %mul3A_20 : vector<8x16x128x128xf32>
    %broadcast_in_dim3A_22 = vector.shape_cast %mul3A_17 : vector<16xf32> to vector<1x16x1x1xf32>
    %add3A = vector.broadcast %broadcast_in_dim3A_22 : vector<1x16x1x1xf32> to vector<8x16x128x128xf32>
    %add3A_23 = arith.addf %mul3A_21, %add3A : vector<8x16x128x128xf32>
    %swap3A = arith.constant 0 : index
    %swap3A_24 = arith.constant 0 : index
    %swap3A_25 = arith.constant 0 : index
    %swap3A_26 = arith.constant 0 : index
    %swap3A_27 = vector.load %arg5[%swap3A, %swap3A_24, %swap3A_25, %swap3A_26] : memref<8x16x128x128xf32, #tpu.memory_space<vmem>>, vector<8x16x128x128xf32>
    tpu.vector_store %arg5[%swap3A, %swap3A_24, %swap3A_25, %swap3A_26], %add3A_23 {strides = array<i32>} : memref<8x16x128x128xf32, #tpu.memory_space<vmem>>, vector<8x16x128x128xf32>,
    return
  }
  func.func @transform_0(%arg0: i32) -> (i32, i32, i32) {
    %c0_i32 = arith.constant 0 : i32
    %c0_i32_0 = arith.constant 0 : i32
    %c0_i32_1 = arith.constant 0 : i32
    return %arg0, %c0_i32, %c0_i32_0 : i32, i32, i32
  }
  func.func @transform_1(%arg0: i32) -> (i32, i32) {
    %c0_i32 = arith.constant 0 : i32
    %c0_i32_0 = arith.constant 0 : i32
    %c0_i32_1 = arith.constant 0 : i32
    return %c0_i32, %c0_i32_0 : i32, i32
  }
  func.func @transform_2(%arg0: i32) -> (i32, i32) {
    %c0_i32 = arith.constant 0 : i32
    %c0_i32_0 = arith.constant 0 : i32
    %c0_i32_1 = arith.constant 0 : i32
    return %c0_i32, %c0_i32_0 : i32, i32
  }
  func.func @transform_3(%arg0: i32) -> (i32, i32) {
    %c0_i32 = arith.constant 0 : i32
    %c0_i32_0 = arith.constant 0 : i32
    %c0_i32_1 = arith.constant 0 : i32
    return %c0_i32, %c0_i32_0 : i32, i32
  }
  func.func @transform_4(%arg0: i32) -> (i32, i32, i32, i32) {
    %c0_i32 = arith.constant 0 : i32
    %c0_i32_0 = arith.constant 0 : i32
    %c0_i32_1 = arith.constant 0 : i32
    %c0_i32_2 = arith.constant 0 : i32
    return %arg0, %c0_i32, %c0_i32_0, %c0_i32_1 : i32, i32, i32, i32
  }
}

</mosaic_0001>

<sc_bundles>
// kernel: kernel.4.cloned.1.call-start
scs
__scs_entry_jumppad:
0x0: {  	(pc) =	sbr.rel $0x88, $3  }
0x1: {  	(tag) =	ssettag $0x0;
	lr =	simm.s32 $0x1  }
0x2: {  	[smem:$0x3F9C] =	sst lr;
	_ =	strace $0xD0000000  }
0x3: {  	_ = 	snop  }
0x4: {  	_ = 	snop  }
0x5: {  	_ = 	snop  }
0x6: {  	_ = 	snop  }
0x7: {  	_ = 	snop  }
__scs_overlays_trampoline_lowered:
0x8: {  	[smem:$0x3FAB] =	sst s0  }
0x9: {  	[smem:$0x3FAC] =	sst s1  }
0xa: {  	[smem:$0x3FAD] =	sst s2  }
0xb: {  	[smem:$0x3FAE] =	sst s3  }
0xc: {  	[smem:$0x3FAF] =	sst s4  }
0xd: {  	[smem:$0x3FB0] =	sst s5  }
0xe: {  	[smem:$0x3FB1] =	sst s6  }
0xf: {  	[smem:$0x3FB2] =	sst s7  }
0x10: {  	[smem:$0x3FB3] =	sst s8  }
0x11: {  	[smem:$0x3FB4] =	sst s9;
	s0 =	simm.s32 @!p0 $0x0  }
0x12: {  	s1 =	sld [smem:$0x3F9A];
	s0 =	simm.s32 @p0 $0x1  }
0x13: {  	[smem:$0x3FB5] =	sst s0;
	s0 =	simm.s32 @!p1 $0x0  }
0x14: {  	s2 =	sld [smem:$0x3F99];
	s0 =	simm.s32 @p1 $0x1  }
0x15: {  	[smem:$0x3FB6] =	sst s0;
	s0 =	simm.s32 @!p2 $0x0  }
0x16: {  	s3 =	sld [smem:$0x3FDB];
	s0 =	simm.s32 @p2 $0x1  }
0x17: {  	s4 =	simm.s32 $0x1BF5;
	[smem:$0x3FB8] =	sst s0  }
0x18: {  	s0 =	sld [smem:$0x3F9B];
	_ =	swait.ge [sflag:s4], $0x0  }
0x19: {  	s7 =	sld [smem:$0x3F9C]  }
0x1a: {  	s8 =	sadd.s32 $0xFFFFE003, lr  }
0x1b: {  	s9 =	sadd.s32 $0xFFFFFEF7, lr;
	s5 =	simm.s32 $0xFFFFFFFF;
	p2 =	slt.u32 s8, $0xFFFFF086  }
0x1c: {  	p1 =	slt.u32 s9, $0xF7A;
	s5 =	simm.s32 @!p2 $0x0  }
0x1d: {  	s5 =	simm.s32 @p1 $0x1;
	p0 =	seq.s32 s7, s2  }
0x1e: {  	s7 =	smul.u32 @!p0 $0xF7A, s2;
	p2 =	seq.s32 @!p0 s5, $0x0  }
0x1f: {  	s9 =	smul.u32 $0xF7A, s1;
	s8 =	simm.s32 @!p0 $0x1BF5;
	p2 =	por !p2, p0  }
0x20: {  	[sflag:s8] =	ssyncset.s32 @!p0 $0xFFFFF086;
	s6 =	sadd.s32 @!p0 s3, s7;
	s7 =	simm.s32 @!p0 $0x108  }
0x21: {  	s3 =	sadd.s32 s3, s9;
	s6 =	sadd.s32 @!p0 $0x88, s6;
	s7 =	simm.s32 @p2 $0x1082  }
0x22: {  	[simem:s7], [sflag:s8] =	dma.local @!p0 [hbm:s6], $0xF7A  }
0x23: {  	s9 =	sor.u32 $0xD0000000, s2;
	s6 =	simm.s32 $0x108;
	_ =	swait.ge @!p0 [sflag:s8], $0x0  }
0x24: {  	s3 =	sadd.s32 $0x88, s3;
	s6 =	simm.s32 @!p1 $0x1082;
	[sflag:s4] =	ssyncset.s32 $0xFFFFF086  }
0x25: {  	[simem:s6], [sflag:s4] =	dma.local [hbm:s3], $0xF7A  }
0x26: {  	[smem:$0x3F9C] =	sst s1;
	(tag) =	ssettag s2;
	_ =	strace s9  }
0x27: {  	s1 =	sld [smem:$0x3FAC]  }
0x28: {  	s2 =	sld [smem:$0x3FAD]  }
0x29: {  	s4 =	sld [smem:$0x3FAF]  }
0x2a: {  	p0 =	seq.s32 s5, $0x0;
	s5 =	sld [smem:$0x3FB0]  }
0x2b: {  	s6 =	sld [smem:$0x3FB1]  }
0x2c: {  	s7 =	sld [smem:$0x3FB2]  }
0x2d: {  	s3 =	simm.s32 $0x108;
	s8 =	sld [smem:$0x3FB3]  }
0x2e: {  	s3 =	simm.s32 @!p0 $0x1082;
	s9 =	sld [smem:$0x3FB4]  }
0x2f: {  	lr =	sadd.s32 s0, s3;
	s0 =	sld [smem:$0x3FAB]  }
0x30: {  	s3 =	sld [smem:$0x3FAE]  }
0x31: {  	[smem:$0x3FB7] =	sst s10  }
0x32: {  	s10 =	sld [smem:$0x3FB5];
	_ =	sdelay $0x3  }
0x33: {  	p0 =	seq.s32 s10, $0x1;
	s10 =	sld [smem:$0x3FB7];
	_ =	sdelay $0x3  }
0x34: {  	[smem:$0x3FB7] =	sst s10  }
0x35: {  	s10 =	sld [smem:$0x3FB6];
	_ =	sdelay $0x3  }
0x36: {  	p1 =	seq.s32 s10, $0x1;
	s10 =	sld [smem:$0x3FB7];
	_ =	sdelay $0x3  }
0x37: {  	[smem:$0x3FB7] =	sst s10  }
0x38: {  	s10 =	sld [smem:$0x3FB8]  }
0x39: {  	_ = 	snop;
	(pc) =	sbr.ind lr, $3  }
0x3a: {  	_ = 	snop  }
0x3b: {  	_ = 	snop  }
0x3c: {  	p2 =	seq.s32 s10, $0x1;
	s10 =	sld [smem:$0x3FB7]  }
0x3d: {  	_ =	shalt  }
0x3e: {  	_ =	shalt  }
0x3f: {  	_ =	shalt  }
0x40: {  	_ =	shalt  }
0x41: {  	_ =	shalt  }
0x42: {  	_ =	shalt  }
0x43: {  	_ =	shalt  }
0x44: {  	_ =	shalt  }
0x45: {  	_ =	shalt  }
0x46: {  	_ =	shalt  }
0x47: {  	_ =	shalt  }
0x48: {  	_ =	shalt  }
0x49: {  	_ =	shalt  }
0x4a: {  	_ =	shalt  }
0x4b: {  	_ =	shalt  }
0x4c: {  	_ =	shalt  }
0x4d: {  	_ =	shalt  }
0x4e: {  	_ =	shalt  }
0x4f: {  	_ =	shalt  }
0x50: {  	_ =	shalt  }
0x51: {  	_ =	shalt  }
0x52: {  	_ =	shalt  }
0x53: {  	_ =	shalt  }
0x54: {  	_ =	shalt  }
0x55: {  	_ =	shalt  }
0x56: {  	_ =	shalt  }
0x57: {  	_ =	shalt  }
0x58: {  	_ =	shalt  }
0x59: {  	_ =	shalt  }
0x5a: {  	_ =	shalt  }
0x5b: {  	_ =	shalt  }
0x5c: {  	_ =	shalt  }
0x5d: {  	_ =	shalt  }
0x5e: {  	_ =	shalt  }
0x5f: {  	_ =	shalt  }
0x60: {  	_ =	shalt  }
0x61: {  	_ =	shalt  }
0x62: {  	_ =	shalt  }
0x63: {  	_ =	shalt  }
0x64: {  	_ =	shalt  }
0x65: {  	_ =	shalt  }
0x66: {  	_ =	shalt  }
0x67: {  	_ =	shalt  }
0x68: {  	_ =	shalt  }
0x69: {  	_ =	shalt  }
0x6a: {  	_ =	shalt  }
0x6b: {  	_ =	shalt  }
0x6c: {  	_ =	shalt  }
0x6d: {  	_ =	shalt  }
0x6e: {  	_ =	shalt  }
0x6f: {  	_ =	shalt  }
0x70: {  	_ =	shalt  }
0x71: {  	_ =	shalt  }
0x72: {  	_ =	shalt  }
0x73: {  	_ =	shalt  }
0x74: {  	_ =	shalt  }
0x75: {  	_ =	shalt  }
0x76: {  	_ =	shalt  }
0x77: {  	_ =	shalt  }
0x78: {  	_ =	shalt  }
0x79: {  	_ =	shalt  }
0x7a: {  	_ =	shalt  }
0x7b: {  	_ =	shalt  }
0x7c: {  	_ =	shalt  }
0x7d: {  	_ =	shalt  }
0x7e: {  	_ =	shalt  }
0x7f: {  	_ =	shalt  }
0x80: {  	_ =	shalt  }
0x81: {  	_ =	shalt  }
0x82: {  	_ =	shalt  }
0x83: {  	_ =	shalt  }
0x84: {  	_ =	shalt  }
0x85: {  	_ =	shalt  }
0x86: {  	_ =	shalt  }
0x87: {  	_ =	shalt  }
.Lfunc_end0:
.L_simem_size_0:
called_computation_lowered:
.L_overlay_start_0:
0x88: {  	s2 =	sld [smem:$0x3FD9]  }
0x89: {  	s3 =	sld [smem:$0x3FFE];
	_ =	sdelay $0x1  }
0x8a: {  	s1 =	srdreg.scid  }
0x8b: {  	s0 =	sand.u32 $0x1, s1  }
0x8c: {  	s17 =	sshll.u32 s0, $0xA;
	s2 =	sadd.s32 s3, s2  }
0x8d: {  	s2 =	sadd.s32 s2, s17  }
0x8e: {  	[smem:$0x3FC3] =	sst s2  }
0x8f: {  	_ = 	snop  }
0x90: {  	s2 =	sld [smem:$0x3FC9]  }
0x91: {  	s18 =	sld [smem:$0x3FD0];
	(tm) =	ssettm $0x1  }
0x92: {  	s4 =	sld [smem:$0x3FFB];
	_ =	sdelay $0x3  }
0x93: {  	_ =	strace s4  }
0x94: {  	s4 =	sld [smem:$0x3FFC];
	_ =	sdelay $0x3  }
0x95: {  	_ =	strace s4  }
0x96: {  	s4 =	sld [smem:$0x3FFD];
	_ =	sdelay $0x3  }
0x97: {  	_ =	strace s4  }
0x98: {  	_ =	strace $0x8FFFFFFF  }
0x99: {  	s19 =	sld [smem:$0x3FDB];
	_ =	sdelay $0x1  }
0x9a: {  	s5 =	simm.s32 $_scs_section_size  }
0x9b: {  	s6 =	simm.s32 $_size__tile_overlayer_lowered;
	s7 =	simm.s32 $_tile_overlayer_lowered  }
0x9c: {  	s22 =	simm.s32 $0x1BFF;
	s21 =	sshll.u32 s7, $0x1;
	s4 =	sadd.s32 s5, s19  }
0x9d: {  	s8 =	simm.s32 $0x0;
	s20 =	sshll.u32 s6, $0x1;
	s6 =	sadd.s32 s21, s4  }
0x9e: {  	[timem:s8], [sflag:s22] =	dma.local [hbm:s6], s20  }
0x9f: {  	_ =	swait.ge [sflag:s22], s20  }
0xa0: {  	s5 =	ssub.s32 $0x0, s20;
	[sflag:s22] =	ssyncset.done $0x0  }
0xa1: {  	[sflag:s22] =	ssyncadd.s32 s5;
	_ =	sdelay $0x1  }
0xa2: {  	s23 =	simm.s32 $0x1B8B  }
0xa3: {  	_ =	swait.ge [sflag:s23], $0x1  }
0xa4: {  	[sflag:s23] =	ssyncset.done $0x0  }
0xa5: {  	s25 =	simm.s32 $0x1B8E;
	s24 =	sld [smem:$0x3FFE];
	[sflag:s23] =	ssyncadd.s32 $0xFFFFFFFF  }
0xa6: {  	s26 =	simm.s32 $execute0_lowered;
	[smem:$0x3FD2] =	sst s25  }
0xa7: {  	s6 =	sshll.u32 s26, $0x1;
	_ =	strace $0x80000046;
	[dreg:$0x1] =	wrdreg $0xFFFFFFFF  }
0xa8: {  	s28 =	simm.s32 $_size_execute0_lowered;
	s4 =	sadd.s32 s4, s6;
	[dreg:$0x0] =	wrdreg $0x0  }
0xa9: {  	s6 =	sshll.u32 s28, $0x1;
	[dreg:$0x2] =	wrdreg s4  }
0xaa: {  	[dreg:$0x3] =	wrdreg s6  }
0xab: {  	[dreg:$0x4] =	wrdreg $0xC0  }
0xac: {  	_ =	task [dreg:s8], $0x5FFFF  }
0xad: {  	[dreg:$0x1] =	wrdreg $0xFFFFFFFF  }
0xae: {  	[dreg:$0x0] =	wrdreg $0x60  }
0xaf: {  	[dreg:$0x2] =	wrdreg s2  }
0xb0: {  	[dreg:$0x3] =	wrdreg s24  }
0xb1: {  	[dreg:$0x4] =	wrdreg s18  }
0xb2: {  	[dreg:$0x5] =	wrdreg $0x9  }
0xb3: {  	_ =	task.clear_ibuf [dreg:s8], $0x6FFFF;
	_ =	strace $0x90000046  }
0xb4: {  	s29 =	simm.s32 $0x9;
	_ =	strace $0x80000048  }
0xb5: {  	_ =	swait.ge [sflag:s29], $0x1  }
0xb6: {  	[sflag:s29] =	ssyncadd.s32 $0xFFFFFFFF  }
0xb7: {  	_ =	strace $0x90000048  }
0xb8: {  	_ =	sfence  }
0xb9: {  	s30 =	sld [smem:$0x0];
	_ =	sdelay $0x2  }
0xba: {  	s31 =	sshll.u32 s1, $0xD;
	s1 =	sshrl.u32 s1, $0x2  }
0xbb: {  	s3 =	sand.u32 $0x4000, s31;
	s1 =	sadd.s32 s1, s30  }
0xbc: {  	s0 =	sor.u32 s3, s0;
	s1 =	sshll.u32 s1, $0x11  }
0xbd: {  	s0 =	sor.u32 s1, s0  }
0xbe: {  	s0 =	sadd.s32 $0x8F2B, s0  }
0xbf: {  	[sflag:s0] =	ssyncadd.remote.s32 $0x1  }
0xc0: {  	_ =	sfence.sel $0xFFFF  }
0xc1: {  	[dreg:$0x0] =	wrdreg $0xFFFFFFFF;
	(pc) =	sbr.abs _section_cstart, $3  }
0xc2: {  	[dreg:$0x1] =	wrdreg $0xFFFFFFFF  }
0xc3: {  	_ =	task.clear_ibuf [dreg:s8], $0x2FFFF;
	_ =	strace $0x9FFFFFFF  }
0xc4: {  	(tm) =	ssettm $0x7FFFFFFF  }
0xc5: {  	_ =	shalt  }
tec
execute0_lowered:
.L_overlay_start_1:
0x0: {  	(tag) =	ssettag $0x1  }
0x1: {  	s4 =	rddreg [dreg:$0x0]  }
0x2: {  	s3 =	rddreg [dreg:$0x1]  }
0x3: {  	s5 =	rddreg [dreg:$0x2]  }
0x4: {  	s0 =	rddreg [dreg:$0x3]  }
0x5: {  	s2 =	simm.s32 $0x0;
	s6 =	srdreg.scid;
	s1 =	stileid.u32  }
0x6: {  	s10 =	simm.s32 $0x0;
	[smem:$0x7FF] =	sst s2;
	s6 =	sand.u32 $0x1, s6  }
0x7: {  	s7 =	sshll.u32 s1, $0x1;
	s3 =	sadd.s32 $0xA00, s3;
	s8 =	ssub.s32 $0x2, s6  }
0x8: {  	_ =	strace $0x80000047;
	s6 =	sor.u32 s6, s7;
	s31 =	sshrl.u32 s8, $0x1  }
0x9: {  	s9 =	sshll.u32 s6, $0x6;
	s6 =	sshll.u32 s6, $0xD;
	s7 =	ssub.s32 s8, s31  }
0xa: {  	s4 =	sadd.s32 s4, s9;
	s5 =	sadd.s32 s5, s6;
	s8 =	simm.s32 $0x200  }
0xb: {  	s9 =	simm.s32 $0x280;
	s6 =	smax.u32 s7, $0x1;
	s7 =	simm.s32 $0x1  }
.LBB2_1:
0xc: {  	[tilespmem:s2], [sflag:$0x1] =	stream.linear.gather [hbm4b:s4+s2], $0x200, $0x38;
	[tilespmem:$0x10280] =	vst v63  }
0xd: {  	_ =	swait.ge [sflag:s7], $0x200  }
0xe: {  	[sflag:s7] =	ssyncset.done $0x0  }
0xf: {  	v0 =	vmov s2;
	[sflag:s7] =	ssyncadd.s32 $0xFFFFFE00  }
0x10: {  	[tilespmem:s8], [sflag:$0x1] =	stream.linear.gather [hbm4b:s3+s2], $0x80, $0x38;
	[tilespmem:$0x10280] =	vst v63  }
0x11: {  	_ =	swait.ge [sflag:s7], $0x80  }
0x12: {  	[sflag:s7] =	ssyncset.done $0x0  }
0x13: {  	[sflag:s7] =	ssyncadd.s32 $0xFFFFFF80  }
0x14: {  	v0 =	vld.idx.msk [tilespmem:v0+s2+$0x0], $0xffff  }
0x15: {  	v1 =	vld [tilespmem:$0x0];
	_ =	sdelay $0x3  }
0x16: {  	vm0 =	vgt.s32 v0, $0x0  }
0x17: {  	vm8 =	vgt.s32 v1, $0x0;
	v0 =	vnsel vm0, $0x0, v0  }
0x18: {  	v2 =	vld [tilespmem:$0x10];
	v1 =	vnsel vm8, $0x0, v1;
	v3 =	vmin.u32 v0, $0x7  }
0x19: {  	v0 =	vmin.u32 v1, $0x7;
	v8 =	vshll.u32 v3, $0x3  }
0x1a: {  	v3 =	vor.u32 v0, v8;
	_ =	sdelay $0x2  }
0x1b: {  	vm9 =	vgt.s32 v2, $0x0  }
0x1c: {  	v4 =	vld [tilespmem:$0x20];
	v1 =	vnsel vm9, $0x0, v2  }
0x1d: {  	v1 =	vmin.u32 v1, $0x7;
	v2 =	vld.idx.msk [tilespmem:v3+s8+$0x0], $0xffff  }
0x1e: {  	v5 =	vld [tilespmem:$0x30];
	v3 =	vor.u32 v1, v8  }
0x1f: {  	v6 =	vld [tilespmem:$0x40]  }
0x20: {  	v7 =	vld [tilespmem:$0x50]  }
0x21: {  	s11 =	simm.s32 $0x2C0;
	v9 =	vld [tilespmem:$0x60];
	vm10 =	vgt.s32 v4, $0x0  }
0x22: {  	v10 =	vld [tilespmem:$0x70];
	v4 =	vnsel vm10, $0x0, v4;
	[tilespmem:s11+$0xFFFFFFC0] =	vst v2  }
0x23: {  	v2 =	vmin.u32 v4, $0x7;
	v3 =	vld.idx.msk [tilespmem:v3+s8+$0x0], $0xffff  }
0x24: {  	v4 =	vor.u32 v2, v8;
	_ =	sdelay $0x2  }
0x25: {  	vm11 =	vgt.s32 v5, $0x0  }
0x26: {  	v5 =	vnsel vm11, $0x0, v5;
	[tilespmem:s11+$0xFFFFFFD0] =	vst v3  }
0x27: {  	v3 =	vmin.u32 v5, $0x7;
	v4 =	vld.idx.msk [tilespmem:v4+s8+$0x0], $0xffff  }
0x28: {  	v5 =	vor.u32 v3, v8;
	_ =	sdelay $0x2  }
0x29: {  	vm12 =	vgt.s32 v6, $0x0  }
0x2a: {  	v6 =	vnsel vm12, $0x0, v6;
	[tilespmem:s11+$0xFFFFFFE0] =	vst v4  }
0x2b: {  	v4 =	vmin.u32 v6, $0x7;
	v5 =	vld.idx.msk [tilespmem:v5+s8+$0x0], $0xffff  }
0x2c: {  	v6 =	vor.u32 v4, v8;
	_ =	sdelay $0x2  }
0x2d: {  	vm13 =	vgt.s32 v7, $0x0  }
0x2e: {  	v7 =	vnsel vm13, $0x0, v7;
	[tilespmem:s11+$0xFFFFFFF0] =	vst v5  }
0x2f: {  	v5 =	vmin.u32 v7, $0x7;
	v6 =	vld.idx.msk [tilespmem:v6+s8+$0x0], $0xffff  }
0x30: {  	v7 =	vor.u32 v5, v8;
	_ =	sdelay $0x2  }
0x31: {  	vm14 =	vgt.s32 v9, $0x0  }
0x32: {  	v9 =	vnsel vm14, $0x0, v9;
	[tilespmem:s11+$0x0] =	vst v6  }
0x33: {  	v6 =	vmin.u32 v9, $0x7;
	v7 =	vld.idx.msk [tilespmem:v7+s8+$0x0], $0xffff  }
0x34: {  	v9 =	vor.u32 v6, v8;
	_ =	sdelay $0x2  }
0x35: {  	vm15 =	vgt.s32 v10, $0x0  }
0x36: {  	v10 =	vnsel vm15, $0x0, v10;
	[tilespmem:s11+$0x10] =	vst v7  }
0x37: {  	v7 =	vmin.u32 v10, $0x7;
	v9 =	vld.idx.msk [tilespmem:v9+s8+$0x0], $0xffff  }
0x38: {  	v8 =	vor.u32 v7, v8;
	_ =	sdelay $0x3  }
0x39: {  	[tilespmem:s11+$0x20] =	vst v9  }
0x3a: {  	s13 =	simm.s32 $0x1;
	v9 =	vld.idx.msk [tilespmem:v8+s8+$0x0], $0xffff  }
0x3b: {  	s12 =	simm.s32 $0x2;
	v8 =	vmov s13  }
.LBB2_2:
0x3c: {  	_ =	sdelay $0x1  }
0x3d: {  	p0 =	sne.s32 s12, $0x7F  }
0x3e: {  	s13 =	smov.u32 s12;
	s12 =	sadd.s32 $0x1, s12;
	[tilespmem:s11+$0x30] =	vst v9;
	s11 =	sadd.s32 $0x80, s11  }
0x3f: {  	v8 =	vld.idx.msk [tilespmem:v8+s2+$0x0], $0xffff;
	_ =	sdelay $0x5  }
0x40: {  	vm0 =	vgt.s32 v8, $0x0  }
0x41: {  	v8 =	vnsel vm0, $0x0, v8  }
0x42: {  	v8 =	vmin.u32 v8, $0x7  }
0x43: {  	v8 =	vshll.u32 v8, $0x3  }
0x44: {  	v9 =	vor.u32 v0, v8;
	_ =	sdelay $0x4  }
0x45: {  	v9 =	vld.idx.msk [tilespmem:v9+s8+$0x0], $0xffff;
	_ =	sdelay $0x1  }
0x46: {  	v10 =	vor.u32 v1, v8;
	_ =	sdelay $0x3  }
0x47: {  	[tilespmem:s11+$0xFFFFFFC0] =	vst v9  }
0x48: {  	v9 =	vld.idx.msk [tilespmem:v10+s8+$0x0], $0xffff;
	_ =	sdelay $0x1  }
0x49: {  	v10 =	vor.u32 v2, v8;
	_ =	sdelay $0x3  }
0x4a: {  	[tilespmem:s11+$0xFFFFFFD0] =	vst v9  }
0x4b: {  	v9 =	vld.idx.msk [tilespmem:v10+s8+$0x0], $0xffff;
	_ =	sdelay $0x1  }
0x4c: {  	v10 =	vor.u32 v3, v8;
	_ =	sdelay $0x3  }
0x4d: {  	[tilespmem:s11+$0xFFFFFFE0] =	vst v9  }
0x4e: {  	v9 =	vld.idx.msk [tilespmem:v10+s8+$0x0], $0xffff;
	_ =	sdelay $0x1  }
0x4f: {  	v10 =	vor.u32 v4, v8;
	_ =	sdelay $0x3  }
0x50: {  	[tilespmem:s11+$0xFFFFFFF0] =	vst v9  }
0x51: {  	v9 =	vld.idx.msk [tilespmem:v10+s8+$0x0], $0xffff;
	_ =	sdelay $0x1  }
0x52: {  	v10 =	vor.u32 v5, v8;
	_ =	sdelay $0x3  }
0x53: {  	[tilespmem:s11+$0x0] =	vst v9  }
0x54: {  	v9 =	vld.idx.msk [tilespmem:v10+s8+$0x0], $0xffff;
	_ =	sdelay $0x1  }
0x55: {  	v10 =	vor.u32 v6, v8;
	_ =	sdelay $0x3  }
0x56: {  	[tilespmem:s11+$0x10] =	vst v9  }
0x57: {  	v9 =	vld.idx.msk [tilespmem:v10+s8+$0x0], $0xffff;
	_ =	sdelay $0x1  }
0x58: {  	v8 =	vor.u32 v7, v8;
	_ =	sdelay $0x2  }
.Ltmp0:
0x59: {  	(pc) =	sbr.rel @p0 .LBB2_2-.Ltmp0, $3  }
0x5a: {  	[tilespmem:s11+$0x20] =	vst v9  }
0x5b: {  	v9 =	vld.idx.msk [tilespmem:v8+s8+$0x0], $0xffff;
	_ =	sdelay $0x1  }
0x5c: {  	v8 =	vmov s13  }
0x5d: {  	_ =	sdelay $0x2  }
0x5e: {  	[tilespmem:s11+$0x30] =	vst v9  }
0x5f: {  	v8 =	vld.idx.msk [tilespmem:v8+s2+$0x0], $0xffff;
	_ =	sdelay $0x4  }
0x60: {  	vm0 =	vgt.s32 v8, $0x0  }
0x61: {  	v8 =	vnsel vm0, $0x0, v8  }
0x62: {  	v8 =	vmin.u32 v8, $0x7  }
0x63: {  	v8 =	vshll.u32 v8, $0x3  }
0x64: {  	v0 =	vor.u32 v0, v8;
	_ =	sdelay $0x4  }
0x65: {  	v0 =	vld.idx.msk [tilespmem:v0+s8+$0x0], $0xffff  }
0x66: {  	v1 =	vor.u32 v1, v8;
	_ =	sdelay $0x2  }
0x67: {  	s31 =	sadd.s32 $0x80, s11  }
0x68: {  	[tilespmem:s31+$0xFFFFFFC0] =	vst v0  }
0x69: {  	v0 =	vld.idx.msk [tilespmem:v1+s8+$0x0], $0xffff  }
0x6a: {  	v1 =	vor.u32 v2, v8;
	_ =	sdelay $0x3  }
0x6b: {  	[tilespmem:s31+$0xFFFFFFD0] =	vst v0  }
0x6c: {  	v0 =	vld.idx.msk [tilespmem:v1+s8+$0x0], $0xffff  }
0x6d: {  	v1 =	vor.u32 v3, v8;
	_ =	sdelay $0x3  }
0x6e: {  	[tilespmem:s31+$0xFFFFFFE0] =	vst v0  }
0x6f: {  	v0 =	vld.idx.msk [tilespmem:v1+s8+$0x0], $0xffff  }
0x70: {  	v1 =	vor.u32 v4, v8;
	_ =	sdelay $0x3  }
0x71: {  	[tilespmem:s31+$0xFFFFFFF0] =	vst v0  }
0x72: {  	v0 =	vld.idx.msk [tilespmem:v1+s8+$0x0], $0xffff  }
0x73: {  	v1 =	vor.u32 v5, v8;
	_ =	sdelay $0x3  }
0x74: {  	[tilespmem:s31+$0x0] =	vst v0  }
0x75: {  	v0 =	vld.idx.msk [tilespmem:v1+s8+$0x0], $0xffff  }
0x76: {  	v1 =	vor.u32 v6, v8;
	_ =	sdelay $0x3  }
0x77: {  	[tilespmem:s31+$0x10] =	vst v0  }
0x78: {  	v0 =	vld.idx.msk [tilespmem:v1+s8+$0x0], $0xffff  }
0x79: {  	v1 =	vor.u32 v7, v8;
	_ =	sdelay $0x3  }
0x7a: {  	[tilespmem:s31+$0x20] =	vst v0  }
0x7b: {  	s12 =	simm.s32 $0x80;
	v0 =	vld.idx.msk [tilespmem:v1+s8+$0x0], $0xffff  }
0x7c: {  	v1 =	vmov s12;
	_ =	sdelay $0x3  }
0x7d: {  	[tilespmem:s31+$0x30] =	vst v0  }
0x7e: {  	v0 =	vld.idx.msk [tilespmem:v1+s2+$0x0], $0xffff  }
0x7f: {  	v1 =	vld [tilespmem:$0x80];
	_ =	sdelay $0x3  }
0x80: {  	vm7 =	vgt.s32 v0, $0x0  }
0x81: {  	vm8 =	vgt.s32 v1, $0x0;
	v0 =	vnsel vm7, $0x0, v0  }
0x82: {  	v2 =	vld [tilespmem:$0x90];
	v1 =	vnsel vm8, $0x0, v1;
	v3 =	vmin.u32 v0, $0x7  }
0x83: {  	v0 =	vmin.u32 v1, $0x7;
	v8 =	vshll.u32 v3, $0x3  }
0x84: {  	v3 =	vor.u32 v0, v8;
	_ =	sdelay $0x2  }
0x85: {  	vm9 =	vgt.s32 v2, $0x0  }
0x86: {  	v4 =	vld [tilespmem:$0xA0];
	v1 =	vnsel vm9, $0x0, v2  }
0x87: {  	v1 =	vmin.u32 v1, $0x7;
	v2 =	vld.idx.msk [tilespmem:v3+s8+$0x0], $0xffff  }
0x88: {  	v5 =	vld [tilespmem:$0xB0];
	v3 =	vor.u32 v1, v8  }
0x89: {  	v6 =	vld [tilespmem:$0xC0]  }
0x8a: {  	v7 =	vld [tilespmem:$0xD0]  }
0x8b: {  	s12 =	simm.s32 $0x0;
	v9 =	vld [tilespmem:$0xE0];
	vm10 =	vgt.s32 v4, $0x0  }
0x8c: {  	v10 =	vld [tilespmem:$0xF0];
	v4 =	vnsel vm10, $0x0, v4;
	[tilespmem:s12+$0x4280] =	vst v2  }
0x8d: {  	v2 =	vmin.u32 v4, $0x7;
	v3 =	vld.idx.msk [tilespmem:v3+s8+$0x0], $0xffff  }
0x8e: {  	v4 =	vor.u32 v2, v8;
	_ =	sdelay $0x2  }
0x8f: {  	vm11 =	vgt.s32 v5, $0x0  }
0x90: {  	v5 =	vnsel vm11, $0x0, v5;
	[tilespmem:s12+$0x4290] =	vst v3  }
0x91: {  	v3 =	vmin.u32 v5, $0x7;
	v4 =	vld.idx.msk [tilespmem:v4+s8+$0x0], $0xffff  }
0x92: {  	v5 =	vor.u32 v3, v8;
	_ =	sdelay $0x2  }
0x93: {  	vm12 =	vgt.s32 v6, $0x0  }
0x94: {  	v6 =	vnsel vm12, $0x0, v6;
	[tilespmem:s12+$0x42A0] =	vst v4  }
0x95: {  	v4 =	vmin.u32 v6, $0x7;
	v5 =	vld.idx.msk [tilespmem:v5+s8+$0x0], $0xffff  }
0x96: {  	v6 =	vor.u32 v4, v8;
	_ =	sdelay $0x2  }
0x97: {  	vm13 =	vgt.s32 v7, $0x0  }
0x98: {  	v7 =	vnsel vm13, $0x0, v7;
	[tilespmem:s12+$0x42B0] =	vst v5  }
0x99: {  	v5 =	vmin.u32 v7, $0x7;
	v6 =	vld.idx.msk [tilespmem:v6+s8+$0x0], $0xffff  }
0x9a: {  	v7 =	vor.u32 v5, v8;
	_ =	sdelay $0x2  }
0x9b: {  	vm14 =	vgt.s32 v9, $0x0  }
0x9c: {  	v9 =	vnsel vm14, $0x0, v9;
	[tilespmem:s12+$0x42C0] =	vst v6  }
0x9d: {  	v6 =	vmin.u32 v9, $0x7;
	v7 =	vld.idx.msk [tilespmem:v7+s8+$0x0], $0xffff  }
0x9e: {  	v9 =	vor.u32 v6, v8;
	_ =	sdelay $0x2  }
0x9f: {  	vm15 =	vgt.s32 v10, $0x0  }
0xa0: {  	v10 =	vnsel vm15, $0x0, v10;
	[tilespmem:s12+$0x42D0] =	vst v7  }
0xa1: {  	v7 =	vmin.u32 v10, $0x7;
	v9 =	vld.idx.msk [tilespmem:v9+s8+$0x0], $0xffff  }
0xa2: {  	v8 =	vor.u32 v7, v8;
	_ =	sdelay $0x3  }
0xa3: {  	[tilespmem:s12+$0x42E0] =	vst v9  }
0xa4: {  	s13 =	simm.s32 $0x81;
	v8 =	vld.idx.msk [tilespmem:v8+s8+$0x0], $0xffff  }
0xa5: {  	s14 =	simm.s32 $0x400;
	s11 =	simm.s32 $0x200;
	v9 =	vmov s13  }
.LBB2_4:
0xa6: {  	_ =	sdelay $0x2  }
0xa7: {  	p0 =	sne.s32 s14, $0xFE00;
	s15 =	smov.u32 s14;
	s14 =	sadd.s32 $0x200, s14;
	[tilespmem:s12+$0x42F0] =	vst v8  }
0xa8: {  	v8 =	vld.idx.msk [tilespmem:v9+s2+$0x0], $0xffff;
	_ =	sdelay $0x5  }
0xa9: {  	vm0 =	vgt.s32 v8, $0x0  }
0xaa: {  	v8 =	vnsel vm0, $0x0, v8  }
0xab: {  	v8 =	vmin.u32 v8, $0x7  }
0xac: {  	v8 =	vshll.u32 v8, $0x3  }
0xad: {  	v9 =	vor.u32 v0, v8;
	_ =	sdelay $0x4  }
0xae: {  	v9 =	vld.idx.msk [tilespmem:v9+s8+$0x0], $0xffff;
	_ =	sdelay $0x1  }
0xaf: {  	v10 =	vor.u32 v1, v8;
	_ =	sdelay $0x2  }
0xb0: {  	s12 =	sshra.s32 s11, $0x2;
	s11 =	smov.u32 s15  }
0xb1: {  	[tilespmem:s12+$0x4280] =	vst v9  }
0xb2: {  	v9 =	vld.idx.msk [tilespmem:v10+s8+$0x0], $0xffff;
	_ =	sdelay $0x1  }
0xb3: {  	v10 =	vor.u32 v2, v8;
	_ =	sdelay $0x3  }
0xb4: {  	[tilespmem:s12+$0x4290] =	vst v9  }
0xb5: {  	v9 =	vld.idx.msk [tilespmem:v10+s8+$0x0], $0xffff;
	_ =	sdelay $0x1  }
0xb6: {  	v10 =	vor.u32 v3, v8;
	_ =	sdelay $0x3  }
0xb7: {  	[tilespmem:s12+$0x42A0] =	vst v9  }
0xb8: {  	v9 =	vld.idx.msk [tilespmem:v10+s8+$0x0], $0xffff;
	_ =	sdelay $0x1  }
0xb9: {  	v10 =	vor.u32 v4, v8;
	_ =	sdelay $0x3  }
0xba: {  	[tilespmem:s12+$0x42B0] =	vst v9  }
0xbb: {  	v9 =	vld.idx.msk [tilespmem:v10+s8+$0x0], $0xffff;
	_ =	sdelay $0x1  }
0xbc: {  	v10 =	vor.u32 v5, v8;
	_ =	sdelay $0x3  }
0xbd: {  	[tilespmem:s12+$0x42C0] =	vst v9  }
0xbe: {  	v9 =	vld.idx.msk [tilespmem:v10+s8+$0x0], $0xffff;
	_ =	sdelay $0x1  }
0xbf: {  	v10 =	vor.u32 v6, v8;
	_ =	sdelay $0x3  }
0xc0: {  	[tilespmem:s12+$0x42D0] =	vst v9  }
0xc1: {  	v9 =	vld.idx.msk [tilespmem:v10+s8+$0x0], $0xffff;
	_ =	sdelay $0x1  }
0xc2: {  	v8 =	vor.u32 v7, v8;
	_ =	sdelay $0x2  }
.Ltmp1:
0xc3: {  	(pc) =	sbr.rel @p0 .LBB2_4-.Ltmp1, $4  }
0xc4: {  	[tilespmem:s12+$0x42E0] =	vst v9  }
0xc5: {  	v8 =	vld.idx.msk [tilespmem:v8+s8+$0x0], $0xffff  }
0xc6: {  	s13 =	sadd.s32 $0x1, s13  }
0xc7: {  	v9 =	vmov s13  }
0xc8: {  	_ =	sdelay $0x2  }
0xc9: {  	[tilespmem:s12+$0x42F0] =	vst v8  }
0xca: {  	v8 =	vld.idx.msk [tilespmem:v9+s2+$0x0], $0xffff;
	_ =	sdelay $0x4  }
0xcb: {  	vm0 =	vgt.s32 v8, $0x0  }
0xcc: {  	v8 =	vnsel vm0, $0x0, v8  }
0xcd: {  	v8 =	vmin.u32 v8, $0x7  }
0xce: {  	v8 =	vshll.u32 v8, $0x3  }
0xcf: {  	v0 =	vor.u32 v0, v8;
	_ =	sdelay $0x4  }
0xd0: {  	v0 =	vld.idx.msk [tilespmem:v0+s8+$0x0], $0xffff  }
0xd1: {  	v1 =	vor.u32 v1, v8;
	_ =	sdelay $0x2  }
0xd2: {  	s11 =	sshra.s32 s11, $0x2  }
0xd3: {  	[tilespmem:s11+$0x4280] =	vst v0  }
0xd4: {  	v0 =	vld.idx.msk [tilespmem:v1+s8+$0x0], $0xffff  }
0xd5: {  	v1 =	vor.u32 v2, v8;
	_ =	sdelay $0x3  }
0xd6: {  	[tilespmem:s11+$0x4290] =	vst v0  }
0xd7: {  	v0 =	vld.idx.msk [tilespmem:v1+s8+$0x0], $0xffff  }
0xd8: {  	v1 =	vor.u32 v3, v8;
	_ =	sdelay $0x3  }
0xd9: {  	[tilespmem:s11+$0x42A0] =	vst v0  }
0xda: {  	v0 =	vld.idx.msk [tilespmem:v1+s8+$0x0], $0xffff  }
0xdb: {  	v1 =	vor.u32 v4, v8;
	_ =	sdelay $0x3  }
0xdc: {  	[tilespmem:s11+$0x42B0] =	vst v0  }
0xdd: {  	v0 =	vld.idx.msk [tilespmem:v1+s8+$0x0], $0xffff  }
0xde: {  	v1 =	vor.u32 v5, v8;
	_ =	sdelay $0x3  }
0xdf: {  	[tilespmem:s11+$0x42C0] =	vst v0  }
0xe0: {  	v0 =	vld.idx.msk [tilespmem:v1+s8+$0x0], $0xffff  }
0xe1: {  	v1 =	vor.u32 v6, v8;
	_ =	sdelay $0x3  }
0xe2: {  	[tilespmem:s11+$0x42D0] =	vst v0  }
0xe3: {  	v0 =	vld.idx.msk [tilespmem:v1+s8+$0x0], $0xffff  }
0xe4: {  	v1 =	vor.u32 v7, v8;
	_ =	sdelay $0x3  }
0xe5: {  	[tilespmem:s11+$0x42E0] =	vst v0  }
0xe6: {  	s31 =	simm.s32 $0x100;
	v0 =	vld.idx.msk [tilespmem:v1+s8+$0x0], $0xffff  }
0xe7: {  	v1 =	vmov s31;
	_ =	sdelay $0x3  }
0xe8: {  	[tilespmem:s11+$0x42F0] =	vst v0  }
0xe9: {  	v0 =	vld.idx.msk [tilespmem:v1+s2+$0x0], $0xffff  }
0xea: {  	v1 =	vld [tilespmem:$0x100];
	_ =	sdelay $0x3  }
0xeb: {  	vm7 =	vgt.s32 v0, $0x0  }
0xec: {  	vm8 =	vgt.s32 v1, $0x0;
	v0 =	vnsel vm7, $0x0, v0  }
0xed: {  	v2 =	vld [tilespmem:$0x110];
	v1 =	vnsel vm8, $0x0, v1;
	v3 =	vmin.u32 v0, $0x7  }
0xee: {  	v0 =	vmin.u32 v1, $0x7;
	v8 =	vshll.u32 v3, $0x3  }
0xef: {  	v3 =	vor.u32 v0, v8;
	_ =	sdelay $0x2  }
0xf0: {  	vm9 =	vgt.s32 v2, $0x0  }
0xf1: {  	v4 =	vld [tilespmem:$0x120];
	v1 =	vnsel vm9, $0x0, v2  }
0xf2: {  	v1 =	vmin.u32 v1, $0x7;
	v2 =	vld.idx.msk [tilespmem:v3+s8+$0x0], $0xffff  }
0xf3: {  	v5 =	vld [tilespmem:$0x130];
	v3 =	vor.u32 v1, v8  }
0xf4: {  	v6 =	vld [tilespmem:$0x140]  }
0xf5: {  	v7 =	vld [tilespmem:$0x150]  }
0xf6: {  	s12 =	simm.s32 $0x0;
	v9 =	vld [tilespmem:$0x160];
	vm10 =	vgt.s32 v4, $0x0  }
0xf7: {  	v10 =	vld [tilespmem:$0x170];
	v4 =	vnsel vm10, $0x0, v4;
	[tilespmem:s12+$0x8280] =	vst v2  }
0xf8: {  	v2 =	vmin.u32 v4, $0x7;
	v3 =	vld.idx.msk [tilespmem:v3+s8+$0x0], $0xffff  }
0xf9: {  	v4 =	vor.u32 v2, v8;
	_ =	sdelay $0x2  }
0xfa: {  	vm11 =	vgt.s32 v5, $0x0  }
0xfb: {  	v5 =	vnsel vm11, $0x0, v5;
	[tilespmem:s12+$0x8290] =	vst v3  }
0xfc: {  	v3 =	vmin.u32 v5, $0x7;
	v4 =	vld.idx.msk [tilespmem:v4+s8+$0x0], $0xffff  }
0xfd: {  	v5 =	vor.u32 v3, v8;
	_ =	sdelay $0x2  }
0xfe: {  	vm12 =	vgt.s32 v6, $0x0  }
0xff: {  	v6 =	vnsel vm12, $0x0, v6;
	[tilespmem:s12+$0x82A0] =	vst v4  }
0x100: {  	v4 =	vmin.u32 v6, $0x7;
	v5 =	vld.idx.msk [tilespmem:v5+s8+$0x0], $0xffff  }
0x101: {  	v6 =	vor.u32 v4, v8;
	_ =	sdelay $0x2  }
0x102: {  	vm13 =	vgt.s32 v7, $0x0  }
0x103: {  	v7 =	vnsel vm13, $0x0, v7;
	[tilespmem:s12+$0x82B0] =	vst v5  }
0x104: {  	v5 =	vmin.u32 v7, $0x7;
	v6 =	vld.idx.msk [tilespmem:v6+s8+$0x0], $0xffff  }
0x105: {  	v7 =	vor.u32 v5, v8;
	_ =	sdelay $0x2  }
0x106: {  	vm14 =	vgt.s32 v9, $0x0  }
0x107: {  	v9 =	vnsel vm14, $0x0, v9;
	[tilespmem:s12+$0x82C0] =	vst v6  }
0x108: {  	v6 =	vmin.u32 v9, $0x7;
	v7 =	vld.idx.msk [tilespmem:v7+s8+$0x0], $0xffff  }
0x109: {  	v9 =	vor.u32 v6, v8;
	_ =	sdelay $0x2  }
0x10a: {  	vm15 =	vgt.s32 v10, $0x0  }
0x10b: {  	v10 =	vnsel vm15, $0x0, v10;
	[tilespmem:s12+$0x82D0] =	vst v7  }
0x10c: {  	v7 =	vmin.u32 v10, $0x7;
	v9 =	vld.idx.msk [tilespmem:v9+s8+$0x0], $0xffff  }
0x10d: {  	v8 =	vor.u32 v7, v8;
	_ =	sdelay $0x3  }
0x10e: {  	[tilespmem:s12+$0x82E0] =	vst v9  }
0x10f: {  	s13 =	simm.s32 $0x101;
	v8 =	vld.idx.msk [tilespmem:v8+s8+$0x0], $0xffff  }
0x110: {  	s14 =	simm.s32 $0x400;
	s11 =	simm.s32 $0x200;
	v9 =	vmov s13  }
.LBB2_6:
0x111: {  	_ =	sdelay $0x2  }
0x112: {  	p0 =	sne.s32 s14, $0xFE00;
	s15 =	smov.u32 s14;
	s14 =	sadd.s32 $0x200, s14;
	[tilespmem:s12+$0x82F0] =	vst v8  }
0x113: {  	v8 =	vld.idx.msk [tilespmem:v9+s2+$0x0], $0xffff;
	_ =	sdelay $0x5  }
0x114: {  	vm0 =	vgt.s32 v8, $0x0  }
0x115: {  	v8 =	vnsel vm0, $0x0, v8  }
0x116: {  	v8 =	vmin.u32 v8, $0x7  }
0x117: {  	v8 =	vshll.u32 v8, $0x3  }
0x118: {  	v9 =	vor.u32 v0, v8;
	_ =	sdelay $0x4  }
0x119: {  	v9 =	vld.idx.msk [tilespmem:v9+s8+$0x0], $0xffff;
	_ =	sdelay $0x1  }
0x11a: {  	v10 =	vor.u32 v1, v8;
	_ =	sdelay $0x2  }
0x11b: {  	s12 =	sshra.s32 s11, $0x2;
	s11 =	smov.u32 s15  }
0x11c: {  	[tilespmem:s12+$0x8280] =	vst v9  }
0x11d: {  	v9 =	vld.idx.msk [tilespmem:v10+s8+$0x0], $0xffff;
	_ =	sdelay $0x1  }
0x11e: {  	v10 =	vor.u32 v2, v8;
	_ =	sdelay $0x3  }
0x11f: {  	[tilespmem:s12+$0x8290] =	vst v9  }
0x120: {  	v9 =	vld.idx.msk [tilespmem:v10+s8+$0x0], $0xffff;
	_ =	sdelay $0x1  }
0x121: {  	v10 =	vor.u32 v3, v8;
	_ =	sdelay $0x3  }
0x122: {  	[tilespmem:s12+$0x82A0] =	vst v9  }
0x123: {  	v9 =	vld.idx.msk [tilespmem:v10+s8+$0x0], $0xffff;
	_ =	sdelay $0x1  }
0x124: {  	v10 =	vor.u32 v4, v8;
	_ =	sdelay $0x3  }
0x125: {  	[tilespmem:s12+$0x82B0] =	vst v9  }
0x126: {  	v9 =	vld.idx.msk [tilespmem:v10+s8+$0x0], $0xffff;
	_ =	sdelay $0x1  }
0x127: {  	v10 =	vor.u32 v5, v8;
	_ =	sdelay $0x3  }
0x128: {  	[tilespmem:s12+$0x82C0] =	vst v9  }
0x129: {  	v9 =	vld.idx.msk [tilespmem:v10+s8+$0x0], $0xffff;
	_ =	sdelay $0x1  }
0x12a: {  	v10 =	vor.u32 v6, v8;
	_ =	sdelay $0x3  }
0x12b: {  	[tilespmem:s12+$0x82D0] =	vst v9  }
0x12c: {  	v9 =	vld.idx.msk [tilespmem:v10+s8+$0x0], $0xffff;
	_ =	sdelay $0x1  }
0x12d: {  	v8 =	vor.u32 v7, v8;
	_ =	sdelay $0x2  }
.Ltmp2:
0x12e: {  	(pc) =	sbr.rel @p0 .LBB2_6-.Ltmp2, $4  }
0x12f: {  	[tilespmem:s12+$0x82E0] =	vst v9  }
0x130: {  	v8 =	vld.idx.msk [tilespmem:v8+s8+$0x0], $0xffff  }
0x131: {  	s13 =	sadd.s32 $0x1, s13  }
0x132: {  	v9 =	vmov s13  }
0x133: {  	_ =	sdelay $0x2  }
0x134: {  	[tilespmem:s12+$0x82F0] =	vst v8  }
0x135: {  	v8 =	vld.idx.msk [tilespmem:v9+s2+$0x0], $0xffff;
	_ =	sdelay $0x4  }
0x136: {  	vm0 =	vgt.s32 v8, $0x0  }
0x137: {  	v8 =	vnsel vm0, $0x0, v8  }
0x138: {  	v8 =	vmin.u32 v8, $0x7  }
0x139: {  	v8 =	vshll.u32 v8, $0x3  }
0x13a: {  	v0 =	vor.u32 v0, v8;
	_ =	sdelay $0x4  }
0x13b: {  	v0 =	vld.idx.msk [tilespmem:v0+s8+$0x0], $0xffff  }
0x13c: {  	v1 =	vor.u32 v1, v8;
	_ =	sdelay $0x2  }
0x13d: {  	s11 =	sshra.s32 s11, $0x2  }
0x13e: {  	[tilespmem:s11+$0x8280] =	vst v0  }
0x13f: {  	v0 =	vld.idx.msk [tilespmem:v1+s8+$0x0], $0xffff  }
0x140: {  	v1 =	vor.u32 v2, v8;
	_ =	sdelay $0x3  }
0x141: {  	[tilespmem:s11+$0x8290] =	vst v0  }
0x142: {  	v0 =	vld.idx.msk [tilespmem:v1+s8+$0x0], $0xffff  }
0x143: {  	v1 =	vor.u32 v3, v8;
	_ =	sdelay $0x3  }
0x144: {  	[tilespmem:s11+$0x82A0] =	vst v0  }
0x145: {  	v0 =	vld.idx.msk [tilespmem:v1+s8+$0x0], $0xffff  }
0x146: {  	v1 =	vor.u32 v4, v8;
	_ =	sdelay $0x3  }
0x147: {  	[tilespmem:s11+$0x82B0] =	vst v0  }
0x148: {  	v0 =	vld.idx.msk [tilespmem:v1+s8+$0x0], $0xffff  }
0x149: {  	v1 =	vor.u32 v5, v8;
	_ =	sdelay $0x3  }
0x14a: {  	[tilespmem:s11+$0x82C0] =	vst v0  }
0x14b: {  	v0 =	vld.idx.msk [tilespmem:v1+s8+$0x0], $0xffff  }
0x14c: {  	v1 =	vor.u32 v6, v8;
	_ =	sdelay $0x3  }
0x14d: {  	[tilespmem:s11+$0x82D0] =	vst v0  }
0x14e: {  	v0 =	vld.idx.msk [tilespmem:v1+s8+$0x0], $0xffff  }
0x14f: {  	v1 =	vor.u32 v7, v8;
	_ =	sdelay $0x3  }
0x150: {  	[tilespmem:s11+$0x82E0] =	vst v0  }
0x151: {  	s31 =	simm.s32 $0x180;
	v0 =	vld.idx.msk [tilespmem:v1+s8+$0x0], $0xffff  }
0x152: {  	v1 =	vmov s31;
	_ =	sdelay $0x3  }
0x153: {  	[tilespmem:s11+$0x82F0] =	vst v0  }
0x154: {  	v0 =	vld.idx.msk [tilespmem:v1+s2+$0x0], $0xffff  }
0x155: {  	v1 =	vld [tilespmem:$0x180];
	_ =	sdelay $0x3  }
0x156: {  	vm7 =	vgt.s32 v0, $0x0  }
0x157: {  	vm8 =	vgt.s32 v1, $0x0;
	v0 =	vnsel vm7, $0x0, v0  }
0x158: {  	v2 =	vld [tilespmem:$0x190];
	v1 =	vnsel vm8, $0x0, v1;
	v3 =	vmin.u32 v0, $0x7  }
0x159: {  	v0 =	vmin.u32 v1, $0x7;
	v8 =	vshll.u32 v3, $0x3  }
0x15a: {  	v3 =	vor.u32 v0, v8;
	_ =	sdelay $0x2  }
0x15b: {  	vm9 =	vgt.s32 v2, $0x0  }
0x15c: {  	v4 =	vld [tilespmem:$0x1A0];
	v1 =	vnsel vm9, $0x0, v2  }
0x15d: {  	v1 =	vmin.u32 v1, $0x7;
	v2 =	vld.idx.msk [tilespmem:v3+s8+$0x0], $0xffff  }
0x15e: {  	v5 =	vld [tilespmem:$0x1B0];
	v3 =	vor.u32 v1, v8  }
0x15f: {  	v6 =	vld [tilespmem:$0x1C0]  }
0x160: {  	v7 =	vld [tilespmem:$0x1D0]  }
0x161: {  	s12 =	simm.s32 $0x0;
	v9 =	vld [tilespmem:$0x1E0];
	vm10 =	vgt.s32 v4, $0x0  }
0x162: {  	v10 =	vld [tilespmem:$0x1F0];
	v4 =	vnsel vm10, $0x0, v4;
	[tilespmem:s12+$0xC280] =	vst v2  }
0x163: {  	v2 =	vmin.u32 v4, $0x7;
	v3 =	vld.idx.msk [tilespmem:v3+s8+$0x0], $0xffff  }
0x164: {  	v4 =	vor.u32 v2, v8;
	_ =	sdelay $0x2  }
0x165: {  	vm11 =	vgt.s32 v5, $0x0  }
0x166: {  	v5 =	vnsel vm11, $0x0, v5;
	[tilespmem:s12+$0xC290] =	vst v3  }
0x167: {  	v3 =	vmin.u32 v5, $0x7;
	v4 =	vld.idx.msk [tilespmem:v4+s8+$0x0], $0xffff  }
0x168: {  	v5 =	vor.u32 v3, v8;
	_ =	sdelay $0x2  }
0x169: {  	vm12 =	vgt.s32 v6, $0x0  }
0x16a: {  	v6 =	vnsel vm12, $0x0, v6;
	[tilespmem:s12+$0xC2A0] =	vst v4  }
0x16b: {  	v4 =	vmin.u32 v6, $0x7;
	v5 =	vld.idx.msk [tilespmem:v5+s8+$0x0], $0xffff  }
0x16c: {  	v6 =	vor.u32 v4, v8;
	_ =	sdelay $0x2  }
0x16d: {  	vm13 =	vgt.s32 v7, $0x0  }
0x16e: {  	v7 =	vnsel vm13, $0x0, v7;
	[tilespmem:s12+$0xC2B0] =	vst v5  }
0x16f: {  	v5 =	vmin.u32 v7, $0x7;
	v6 =	vld.idx.msk [tilespmem:v6+s8+$0x0], $0xffff  }
0x170: {  	v7 =	vor.u32 v5, v8;
	_ =	sdelay $0x2  }
0x171: {  	vm14 =	vgt.s32 v9, $0x0  }
0x172: {  	v9 =	vnsel vm14, $0x0, v9;
	[tilespmem:s12+$0xC2C0] =	vst v6  }
0x173: {  	v6 =	vmin.u32 v9, $0x7;
	v7 =	vld.idx.msk [tilespmem:v7+s8+$0x0], $0xffff  }
0x174: {  	v9 =	vor.u32 v6, v8;
	_ =	sdelay $0x2  }
0x175: {  	vm15 =	vgt.s32 v10, $0x0  }
0x176: {  	v10 =	vnsel vm15, $0x0, v10;
	[tilespmem:s12+$0xC2D0] =	vst v7  }
0x177: {  	v7 =	vmin.u32 v10, $0x7;
	v9 =	vld.idx.msk [tilespmem:v9+s8+$0x0], $0xffff  }
0x178: {  	v8 =	vor.u32 v7, v8;
	_ =	sdelay $0x3  }
0x179: {  	[tilespmem:s12+$0xC2E0] =	vst v9  }
0x17a: {  	s13 =	simm.s32 $0x181;
	v8 =	vld.idx.msk [tilespmem:v8+s8+$0x0], $0xffff  }
0x17b: {  	s14 =	simm.s32 $0x400;
	s11 =	simm.s32 $0x200;
	v9 =	vmov s13  }
.LBB2_8:
0x17c: {  	_ =	sdelay $0x2  }
0x17d: {  	p0 =	sne.s32 s14, $0xFE00;
	s15 =	smov.u32 s14;
	s14 =	sadd.s32 $0x200, s14;
	[tilespmem:s12+$0xC2F0] =	vst v8  }
0x17e: {  	v8 =	vld.idx.msk [tilespmem:v9+s2+$0x0], $0xffff;
	_ =	sdelay $0x5  }
0x17f: {  	vm0 =	vgt.s32 v8, $0x0  }
0x180: {  	v8 =	vnsel vm0, $0x0, v8  }
0x181: {  	v8 =	vmin.u32 v8, $0x7  }
0x182: {  	v8 =	vshll.u32 v8, $0x3  }
0x183: {  	v9 =	vor.u32 v0, v8;
	_ =	sdelay $0x4  }
0x184: {  	v9 =	vld.idx.msk [tilespmem:v9+s8+$0x0], $0xffff;
	_ =	sdelay $0x1  }
0x185: {  	v10 =	vor.u32 v1, v8;
	_ =	sdelay $0x2  }
0x186: {  	s12 =	sshra.s32 s11, $0x2;
	s11 =	smov.u32 s15  }
0x187: {  	[tilespmem:s12+$0xC280] =	vst v9  }
0x188: {  	v9 =	vld.idx.msk [tilespmem:v10+s8+$0x0], $0xffff;
	_ =	sdelay $0x1  }
0x189: {  	v10 =	vor.u32 v2, v8;
	_ =	sdelay $0x3  }
0x18a: {  	[tilespmem:s12+$0xC290] =	vst v9  }
0x18b: {  	v9 =	vld.idx.msk [tilespmem:v10+s8+$0x0], $0xffff;
	_ =	sdelay $0x1  }
0x18c: {  	v10 =	vor.u32 v3, v8;
	_ =	sdelay $0x3  }
0x18d: {  	[tilespmem:s12+$0xC2A0] =	vst v9  }
0x18e: {  	v9 =	vld.idx.msk [tilespmem:v10+s8+$0x0], $0xffff;
	_ =	sdelay $0x1  }
0x18f: {  	v10 =	vor.u32 v4, v8;
	_ =	sdelay $0x3  }
0x190: {  	[tilespmem:s12+$0xC2B0] =	vst v9  }
0x191: {  	v9 =	vld.idx.msk [tilespmem:v10+s8+$0x0], $0xffff;
	_ =	sdelay $0x1  }
0x192: {  	v10 =	vor.u32 v5, v8;
	_ =	sdelay $0x3  }
0x193: {  	[tilespmem:s12+$0xC2C0] =	vst v9  }
0x194: {  	v9 =	vld.idx.msk [tilespmem:v10+s8+$0x0], $0xffff;
	_ =	sdelay $0x1  }
0x195: {  	v10 =	vor.u32 v6, v8;
	_ =	sdelay $0x3  }
0x196: {  	[tilespmem:s12+$0xC2D0] =	vst v9  }
0x197: {  	v9 =	vld.idx.msk [tilespmem:v10+s8+$0x0], $0xffff;
	_ =	sdelay $0x1  }
0x198: {  	v8 =	vor.u32 v7, v8;
	_ =	sdelay $0x2  }
.Ltmp3:
0x199: {  	(pc) =	sbr.rel @p0 .LBB2_8-.Ltmp3, $4  }
0x19a: {  	[tilespmem:s12+$0xC2E0] =	vst v9  }
0x19b: {  	v8 =	vld.idx.msk [tilespmem:v8+s8+$0x0], $0xffff  }
0x19c: {  	s13 =	sadd.s32 $0x1, s13  }
0x19d: {  	v9 =	vmov s13  }
0x19e: {  	_ =	sdelay $0x2  }
0x19f: {  	[tilespmem:s12+$0xC2F0] =	vst v8  }
0x1a0: {  	v8 =	vld.idx.msk [tilespmem:v9+s2+$0x0], $0xffff;
	_ =	sdelay $0x4  }
0x1a1: {  	vm0 =	vgt.s32 v8, $0x0  }
0x1a2: {  	v8 =	vnsel vm0, $0x0, v8  }
0x1a3: {  	v8 =	vmin.u32 v8, $0x7  }
0x1a4: {  	v8 =	vshll.u32 v8, $0x3  }
0x1a5: {  	v0 =	vor.u32 v0, v8;
	_ =	sdelay $0x4  }
0x1a6: {  	v0 =	vld.idx.msk [tilespmem:v0+s8+$0x0], $0xffff  }
0x1a7: {  	v1 =	vor.u32 v1, v8;
	_ =	sdelay $0x2  }
0x1a8: {  	s11 =	sshra.s32 s11, $0x2  }
0x1a9: {  	[tilespmem:s11+$0xC280] =	vst v0  }
0x1aa: {  	v0 =	vld.idx.msk [tilespmem:v1+s8+$0x0], $0xffff  }
0x1ab: {  	v58 =	vor.u32 v2, v8;
	_ =	sdelay $0x3  }
0x1ac: {  	[tilespmem:s11+$0xC290] =	vst v0  }
0x1ad: {  	v0 =	vld.idx.msk [tilespmem:v58+s8+$0x0], $0xffff  }
0x1ae: {  	v59 =	vor.u32 v3, v8;
	_ =	sdelay $0x3  }
0x1af: {  	[tilespmem:s11+$0xC2A0] =	vst v0  }
0x1b0: {  	v0 =	vld.idx.msk [tilespmem:v59+s8+$0x0], $0xffff  }
0x1b1: {  	v60 =	vor.u32 v4, v8;
	_ =	sdelay $0x3  }
0x1b2: {  	[tilespmem:s11+$0xC2B0] =	vst v0  }
0x1b3: {  	v0 =	vld.idx.msk [tilespmem:v60+s8+$0x0], $0xffff  }
0x1b4: {  	v61 =	vor.u32 v5, v8;
	_ =	sdelay $0x3  }
0x1b5: {  	[tilespmem:s11+$0xC2C0] =	vst v0  }
0x1b6: {  	v0 =	vld.idx.msk [tilespmem:v61+s8+$0x0], $0xffff  }
0x1b7: {  	v62 =	vor.u32 v6, v8;
	_ =	sdelay $0x3  }
0x1b8: {  	[tilespmem:s11+$0xC2D0] =	vst v0  }
0x1b9: {  	v0 =	vld.idx.msk [tilespmem:v62+s8+$0x0], $0xffff  }
0x1ba: {  	v63 =	vor.u32 v7, v8;
	_ =	sdelay $0x3  }
0x1bb: {  	[tilespmem:s11+$0xC2E0] =	vst v0  }
0x1bc: {  	v0 =	vld.idx.msk [tilespmem:v63+s8+$0x0], $0xffff;
	_ =	sdelay $0x2  }
0x1bd: {  	s10 =	sadd.s32 $0x1, s10  }
0x1be: {  	p0 =	sne.s32 s10, s6  }
.Ltmp4:
0x1bf: {  	[tilespmem:s11+$0xC2F0] =	vst v0;
	(pc) =	sbr.rel @p0 .LBB2_1-.Ltmp4, $4  }
0x1c0: {  	[hbm4b:s5+s2] =	stream.linear.scatter [tilespmem:s9], [sflag:$0x1], $0x10000, $0x38;
	[tilespmem:$0x10280] =	vst v63  }
0x1c1: {  	_ =	swait.ge [sflag:s7], $0x10000  }
0x1c2: {  	[sflag:s7] =	ssyncset.done $0x0  }
0x1c3: {  	[sflag:s7] =	ssyncadd.s32 $0xFFFF0000  }
0x1c4: {  	_ =	sfence.sel $0x180000  }
0x1c5: {  	[bflag:$0x0] =	sbarrier.arrive $0xFFFF  }
0x1c6: {  	p0 =	sne.s32 s1, $0x0;
	_ =	strace $0x90000047  }
0x1c7: {  	s0 =	sadd.s32 @!p0 $0x100000, s0;
	[bflag:$0x2] =	sbarrier.arrive $0xFFFF  }
0x1c8: {  	[sflag:s0] =	ssyncadd.tile.s32 @!p0 $0x1;
	_ =	shalt  }
.Lfunc_end2:
_tile_overlayer_lowered:
.L_overlay_start_2:
0x1c9: {  	(tag) =	ssettag $0x2  }
0x1ca: {  	s0 =	rddreg [dreg:$0x0];
	s2 =	stileid.u32  }
0x1cb: {  	s1 =	rddreg [dreg:$0x1];
	p0 =	sne.s32 s2, $0x0  }
0x1cc: {  	s3 =	rddreg [dreg:$0x2];
	[bflag:$0x3] =	sbarrier.arrive $0xFFFF;
	s2 =	simm.s32 @!p0 $0x1C01  }
0x1cd: {  	[timem:s3], [sflag:s2] =	dma.local @!p0 [hbm:s0], s1  }
0x1ce: {  	s0 =	simm.s32 @!p0 $0x1  }
0x1cf: {  	_ =	swait.ge @!p0 [sflag:s0], s1  }
0x1d0: {  	s1 =	ssub.s32 @!p0 $0x0, s1;
	[sflag:s0] =	ssyncset.done @!p0 $0x0  }
0x1d1: {  	[sflag:s0] =	ssyncadd.s32 @!p0 s1  }
0x1d2: {  	[bflag:$0x3] =	sbarrier.arrive $0xFFFF  }
0x1d3: {  	_ =	shalt  }

</sc_bundles>
